<compile_context>
chip_gen: v7x
topology: tpu7x:2x2x1
jax: 0.10.2.dev20260603
libtpu: 0.0.44.dev20260713+nightly
codegen_flags: <defaults>
</compile_context>

<pallas_src>
import functools

import jax
import jax.numpy as jnp
from jax import lax
from jax.experimental import pallas as pl
from jax.experimental.pallas import tpu as pltpu
from jax.experimental.pallas import tpu_sc as plsc

_ALPHA = 3.0
_K = 20


def _gather_rows_sc(table, idx):
    info = plsc.get_sparse_core_info()
    nc, ns = info.num_cores, info.num_subcores
    nw = nc * ns
    b, d = idx.shape[0], table.shape[1]
    b_per_w = b // nw
    mesh = plsc.VectorSubcoreMesh(core_axis_name="c", subcore_axis_name="s")

    @functools.partial(
        pl.kernel,
        mesh=mesh,
        compiler_params=pltpu.CompilerParams(use_tc_tiling_on_sc=False),
        out_type=jax.ShapeDtypeStruct((b, d), jnp.float32),
        scratch_types=[
            pltpu.VMEM((b_per_w,), jnp.int32),
            pltpu.VMEM((b_per_w, d), jnp.float32),
            pltpu.SemaphoreType.DMA,
        ],
    )
    def gather_kernel(table_hbm, idx_hbm, out_hbm, idx_v, rows_v, sem):
        wid = lax.axis_index("s") * nc + lax.axis_index("c")
        base = wid * b_per_w
        pltpu.sync_copy(idx_hbm.at[pl.ds(base, b_per_w)], idx_v)
        pltpu.async_copy(table_hbm.at[idx_v], rows_v, sem).wait()
        pltpu.sync_copy(rows_v, out_hbm.at[pl.ds(base, b_per_w)])

    return gather_kernel(table, idx)


def _h_body(x_ref, w1_ref, b1_ref, he_ref, w2_ref, b2_ref, h_ref):
    dn = (((1,), (1,)), ((), ()))
    z1 = lax.dot_general(x_ref[...], w1_ref[...], dn,
                         preferred_element_type=jnp.float32)
    nv1 = jnp.tanh(_ALPHA * (z1 + b1_ref[...]))
    z2 = lax.dot_general(he_ref[...], w2_ref[...], dn,
                         preferred_element_type=jnp.float32)
    nv2 = jnp.tanh(_ALPHA * (z2 + b2_ref[...]))
    h0 = lax.dot_general(nv1, nv2, dn, preferred_element_type=jnp.float32)
    h_ref[...] = jnp.maximum(jnp.tanh(_ALPHA * h0), 0.0)


def _fused_body(hb1_ref, hb2_ref, hall_ref, out_ref, a16_ref, w16_ref,
                t_scr, c_scr):
    b, blk = a16_ref.shape
    hb_ref = hb1_ref
    adj_t = lax.dot_general(hall_ref[...], hb_ref[...],
                            (((1,), (1,)), ((), ())),
                            preferred_element_type=jnp.float32)
    keys = lax.bitcast_convert_type(adj_t, jnp.int32)
    a16 = ((keys >> 15) - 32768).astype(jnp.int16)
    a16_ref[...] = a16
    w16_ref[...] = (keys & 0x7FFF).astype(jnp.int16)
    def count16(ind16):
        x = ind16
        n = x.shape[0]
        while n > 16:
            n //= 2
            x = x[:n] + x[n:]
        return jnp.sum(x.astype(jnp.int32), axis=0, keepdims=True)

    def count_ge(ref, pivot_row):
        p16 = pivot_row.astype(jnp.int16)
        return count16((ref[...] >= p16).astype(jnp.int16))

    g32 = keys
    n = g32.shape[0]
    while n > 128:
        n //= 2
        g32 = jnp.maximum(g32[:n], g32[n:])
    ga16 = (g32 >> 15) - 32768
    hi0 = jnp.max(g32, axis=0, keepdims=True) >> 15
    hi0 = hi0 - 32768

    def bisect_g(_, lh):
        lo, hi = lh
        mid = lo + ((hi - lo + 1) >> 1)
        cnt = jnp.sum((ga16 >= mid).astype(jnp.int32), axis=0, keepdims=True)
        ok = cnt >= _K
        return jnp.where(ok, mid, lo), jnp.where(ok, hi, mid - 1)

    lo_g, _ = lax.fori_loop(
        0, 16, bisect_g, (jnp.full((1, blk), -32768, jnp.int32), hi0))

    def bisect_a_cond(lh):
        lo, hi = lh
        return jnp.any(lo < hi)

    def bisect_a(lh):
        lo, hi = lh
        mid = lo + ((hi - lo + 1) >> 1)
        ok = count_ge(a16_ref, mid) >= _K
        return jnp.where(ok, mid, lo), jnp.where(ok, hi, mid - 1)

    p_top, _ = lax.while_loop(bisect_a_cond, bisect_a, (lo_g, hi0))

    p16 = p_top.astype(jnp.int16)
    cnt_gt_band = count16((a16_ref[...] > p16).astype(jnp.int16))
    kp = _K - cnt_gt_band

    w16_ref[...] = jnp.where(a16_ref[...] == p16, w16_ref[...],
                             jnp.int16(-1))

    def bisect_b(_, lh):
        lo, hi = lh
        mid = lo + ((hi - lo + 1) >> 1)
        ok = count_ge(w16_ref, mid) >= kp
        return jnp.where(ok, mid, lo), jnp.where(ok, hi, mid - 1)

    low15, _ = lax.fori_loop(
        0, 15, bisect_b,
        (jnp.zeros((1, blk), jnp.int32), jnp.full((1, blk), 32767, jnp.int32)))

    t32 = ((p_top + 32768) << 15) | low15
    l16 = low15.astype(jnp.int16)
    cnt_gt_ib = count16((w16_ref[...] > l16).astype(jnp.int16))
    need = kp - cnt_gt_ib

    col16 = lax.broadcasted_iota(jnp.int32, (b, blk), 0).astype(jnp.int16)
    w16_ref[...] = jnp.where(w16_ref[...] == l16, col16, jnp.int16(32767))

    def bisect_c(_, lh):
        lo, hi = lh
        mid = (lo + hi) >> 1
        g = count16((w16_ref[...] <= mid.astype(jnp.int16)).astype(jnp.int16))
        ok = g >= need
        return jnp.where(ok, lo, mid + 1), jnp.where(ok, mid, hi)

    cstar, _ = lax.fori_loop(
        0, 12, bisect_c,
        (jnp.zeros((1, blk), jnp.int32), jnp.full((1, blk), b - 1, jnp.int32)))

    j = pl.program_id(0)
    nblk = pl.num_programs(0)
    bi = jnp.minimum(j, nblk - 2)
    t_scr[pl.ds(bi, 1), :] = t32
    c_scr[pl.ds(bi, 1), :] = cstar

    bj = jnp.maximum(j - 1, 0)
    t_row = t_scr[pl.ds(bj, 1), :]
    c_row = c_scr[pl.ds(bj, 1), :]

    io = lax.broadcasted_iota(jnp.int32, (blk, blk), 0)
    ic = lax.broadcasted_iota(jnp.int32, (blk, blk), 1)
    ident = (io == ic).astype(jnp.float32)

    def col_of(row_i32):
        f = row_i32.astype(jnp.float32)
        col = lax.dot_general(ident, f, (((1,), (1,)), ((), ())),
                              preferred_element_type=jnp.float32)
        return col.astype(jnp.int32)

    t_col = (col_of(t_row >> 16) << 16) | col_of(t_row & 0xFFFF)
    c_col = col_of(c_row)

    adj = lax.dot_general(hb2_ref[...], hall_ref[...],
                          (((1,), (1,)), ((), ())),
                          preferred_element_type=jnp.float32)
    okeys = lax.bitcast_convert_type(adj, jnp.int32)
    ocol = lax.broadcasted_iota(jnp.int32, (blk, b), 1)
    sel = (okeys > t_col) | ((okeys == t_col) & (ocol <= c_col))
    out_ref[...] = jnp.where(sel, adj, 0.0)


def kernel(idx, embn, embhe, W1, b1, W2, b2):
    b = idx.shape[0]
    nhedges, hedim = embhe.shape
    ndim = embn.shape[1]

    nv1_raw = _gather_rows_sc(embn, idx.astype(jnp.int32))

    blk_h = 512
    H = pl.pallas_call(
        _h_body,
        grid=(b // blk_h,),
        in_specs=[
            pl.BlockSpec((blk_h, ndim), lambda i: (i, 0)),
            pl.BlockSpec((W1.shape[0], ndim), lambda i: (0, 0)),
            pl.BlockSpec((1, W1.shape[0]), lambda i: (0, 0)),
            pl.BlockSpec((nhedges, hedim), lambda i: (0, 0)),
            pl.BlockSpec((W2.shape[0], hedim), lambda i: (0, 0)),
            pl.BlockSpec((1, W2.shape[0]), lambda i: (0, 0)),
        ],
        out_specs=pl.BlockSpec((blk_h, nhedges), lambda i: (i, 0)),
        out_shape=jax.ShapeDtypeStruct((b, nhedges), jnp.float32),
        compiler_params=pltpu.CompilerParams(
            dimension_semantics=("parallel",)),
    )(nv1_raw, W1, b1.reshape(1, -1), embhe, W2, b2.reshape(1, -1))

    blk_a = 256
    nblk = b // blk_a
    adj = pl.pallas_call(
        _fused_body,
        grid=(nblk + 1,),
        in_specs=[
            pl.BlockSpec((blk_a, nhedges),
                         lambda j: (jnp.minimum(j, nblk - 1), 0)),
            pl.BlockSpec((blk_a, nhedges),
                         lambda j: (jnp.maximum(j - 1, 0), 0)),
            pl.BlockSpec((b, nhedges), lambda j: (0, 0)),
        ],
        out_specs=pl.BlockSpec((blk_a, b),
                               lambda j: (jnp.maximum(j - 1, 0), 0)),
        out_shape=jax.ShapeDtypeStruct((b, b), jnp.float32),
        scratch_shapes=[pltpu.VMEM((b, blk_a), jnp.int16),
                        pltpu.VMEM((b, blk_a), jnp.int16),
                        pltpu.VMEM((nblk, blk_a), jnp.int32),
                        pltpu.VMEM((nblk, blk_a), jnp.int32)],
    )(H, H, H)

    return adj

# --- scband reference (transcript-rebuilt; emitter-appended) ---
"""Pipeline reference for scband-hypergraph-constructor-17300128268697 (READ-ONLY COPY).

The authoritative reference and input builder live on the scoring server;
editing this copy changes nothing except your own understanding.
"""

import jax, jax.numpy as jnp
import numpy as np

NNODES = 50000
NHEDGES = 256
NDIM = 64
HEDIM = 64
DIM = 64
K = 20
ALPHA = 3.0
B = 4096


def setup_inputs(seed: int = 0) -> dict:
    key = jax.random.key(seed)
    ks = jax.random.split(key, 7)
    idx = jax.random.randint(ks[0], (B,), 0, NNODES)
    embn = jax.random.normal(ks[1], (NNODES, NDIM), dtype=jnp.float32)
    embhe = jax.random.normal(ks[2], (NHEDGES, HEDIM), dtype=jnp.float32)
    W1 = jax.random.normal(ks[3], (DIM, NDIM), dtype=jnp.float32) * 0.05
    b1 = jnp.zeros((DIM,), dtype=jnp.float32)
    W2 = jax.random.normal(ks[4], (DIM, HEDIM), dtype=jnp.float32) * 0.05
    b2 = jnp.zeros((DIM,), dtype=jnp.float32)
    return {"idx": idx, "embn": embn, "embhe": embhe, "W1": W1, "b1": b1, "W2": W2, "b2": b2}


def reference(idx, embn, embhe, W1, b1, W2, b2):
    # nodevec1 = embn(idx); nodevec2 = embhe(arange(nhedges))
    nodevec1 = jnp.take(embn, idx, axis=0)
    nodevec2 = embhe  # gather of full range(nhedges) == the table itself
    # lin1 / lin2 with tanh(alpha * .)
    nodevec1 = jnp.tanh(ALPHA * (nodevec1 @ W1.T + b1))
    nodevec2 = jnp.tanh(ALPHA * (nodevec2 @ W2.T + b2))
    h0 = nodevec1 @ nodevec2.T              # [B, NHEDGES]
    H = jax.nn.relu(jnp.tanh(ALPHA * h0))   # [B, NHEDGES]
    adj = H @ H.T                            # [B, B]
    # topk along dim 1, scatter ones into mask (s1.fill_(1) -> scatter ones)
    _, t1 = jax.lax.top_k(adj, K)
    n = adj.shape[0]
    rows = jnp.arange(n)[:, None]
    mask = jnp.zeros_like(adj).at[rows, t1].set(1.0)
    adj = adj * mask
    return adj

if __name__ == "__main__":
    import jax
    _d = setup_inputs()
    print(jax.jit(kernel)(*tuple(_d.values())))

</pallas_src>

<mosaic_0001>
#map = affine_map<(d0, d1) -> (0, 0)>
#map1 = affine_map<(d0, d1) -> (0)>
module attributes {stable_mosaic.version = 14 : i64} {
  func.func @gather_kernel(%arg0: i32, %arg1: i32, %arg2: memref<50000x64xf32, #tpu.memory_space<hbm>>, %arg3: memref<4096xi32, #tpu.memory_space<hbm>>, %arg4: memref<4096x64xf32, #tpu.memory_space<hbm>>, %arg5: memref<128xi32, #tpu.memory_space<vmem>>, %arg6: memref<128x64xf32, #tpu.memory_space<vmem>>, %arg7: memref<!tpu.dma_semaphore, #tpu.memory_space<semaphore_mem>>) attributes {dimension_semantics = [#tpu.dimension_semantics<core_parallel>, #tpu.dimension_semantics<subcore_parallel>], iteration_bounds = array<i64: 2, 16>, scalar_prefetch = 0 : i64, scratch_operands = 3 : i64, tpu.core_type = #tpu.core_type<sc_vector_subcore>, window_params = [{transform_indices = #map}, {transform_indices = #map1}, {transform_indices = #map}]} {
    %mul3A = arith.constant 2 : i32
    %mul3A_0 = arith.muli %arg1, %mul3A : i32
    %add3A = arith.addi %mul3A_0, %arg0 : i32
    %mul3A_1 = arith.constant 128 : i32
    %mul3A_2 = arith.muli %add3A, %mul3A_1 : i32
    "tpu.region"() ({
      %run_scoped3A = tpu.sem_alloc : memref<!tpu.dma_semaphore, #tpu.memory_space<semaphore_mem>>
      %dma_start3A_7 = tpu.memref_slice %arg3[%mul3A_2] : memref<4096xi32, #tpu.memory_space<hbm>> -> memref<128xi32, #tpu.memory_space<hbm>>
      %dma_start3A_8 = tpu.memref_slice %arg3[%mul3A_2] : memref<4096xi32, #tpu.memory_space<hbm>> -> memref<128xi32, #tpu.memory_space<hbm>>
      tpu.enqueue_dma source(%dma_start3A_8 : memref<128xi32, #tpu.memory_space<hbm>>) target(%arg5 : memref<128xi32, #tpu.memory_space<vmem>>) target_semaphore(%run_scoped3A : memref<!tpu.dma_semaphore, #tpu.memory_space<semaphore_mem>>)
      %dma_wait3A_9 = tpu.memref_slice %arg3[%mul3A_2] : memref<4096xi32, #tpu.memory_space<hbm>> -> memref<128xi32, #tpu.memory_space<hbm>>
      %dma_wait3A_10 = tpu.memref_slice %arg3[%mul3A_2] : memref<4096xi32, #tpu.memory_space<hbm>> -> memref<128xi32, #tpu.memory_space<hbm>>
      tpu.wait_dma2 semaphore(%run_scoped3A : memref<!tpu.dma_semaphore, #tpu.memory_space<semaphore_mem>>) src(%dma_wait3A_10 : memref<128xi32, #tpu.memory_space<hbm>>) dst(%arg5 : memref<128xi32, #tpu.memory_space<vmem>>)
      tpu.yield
    }) : () -> ()
    %dma_start3A = arith.constant 0 : i32
    %dma_start3A_3 = arith.constant 0 : i32
    %dma_start3A_4 = tpu.memref_slice %arg2[%dma_start3A, %dma_start3A_3] : memref<50000x64xf32, #tpu.memory_space<hbm>> -> memref<50000x64xf32, #tpu.memory_space<hbm>>
    tpu.enqueue_indirect_dma source(%dma_start3A_4 : memref<50000x64xf32, #tpu.memory_space<hbm>>) target(%arg6 : memref<128x64xf32, #tpu.memory_space<vmem>>) offsets(%arg5 : memref<128xi32, #tpu.memory_space<vmem>>) semaphore(%arg7 : memref<!tpu.dma_semaphore, #tpu.memory_space<semaphore_mem>>)
    %dma_wait3A = arith.constant 0 : i32
    %dma_wait3A_5 = arith.constant 0 : i32
    %dma_wait3A_6 = tpu.memref_slice %arg2[%dma_wait3A, %dma_wait3A_5] : memref<50000x64xf32, #tpu.memory_space<hbm>> -> memref<50000x64xf32, #tpu.memory_space<hbm>>
    tpu.wait_indirect_dma semaphore(%arg7 : memref<!tpu.dma_semaphore, #tpu.memory_space<semaphore_mem>>) src(%dma_wait3A_6 : memref<50000x64xf32, #tpu.memory_space<hbm>>) dst(%arg6 : memref<128x64xf32, #tpu.memory_space<vmem>>)
    "tpu.region"() ({
      %run_scoped3A = tpu.sem_alloc : memref<!tpu.dma_semaphore, #tpu.memory_space<semaphore_mem>>
      %dma_start3A_7 = arith.constant 0 : i32
      %dma_start3A_8 = tpu.memref_slice %arg4[%mul3A_2, %dma_start3A_7] : memref<4096x64xf32, #tpu.memory_space<hbm>> -> memref<128x64xf32, #tpu.memory_space<hbm>>
      %dma_start3A_9 = arith.constant 0 : i32
      %dma_start3A_10 = tpu.memref_slice %arg4[%mul3A_2, %dma_start3A_9] : memref<4096x64xf32, #tpu.memory_space<hbm>> -> memref<128x64xf32, #tpu.memory_space<hbm>>
      tpu.enqueue_dma source(%arg6 : memref<128x64xf32, #tpu.memory_space<vmem>>) target(%dma_start3A_10 : memref<128x64xf32, #tpu.memory_space<hbm>>) target_semaphore(%run_scoped3A : memref<!tpu.dma_semaphore, #tpu.memory_space<semaphore_mem>>)
      %dma_wait3A_11 = arith.constant 0 : i32
      %dma_wait3A_12 = tpu.memref_slice %arg4[%mul3A_2, %dma_wait3A_11] : memref<4096x64xf32, #tpu.memory_space<hbm>> -> memref<128x64xf32, #tpu.memory_space<hbm>>
      %dma_wait3A_13 = arith.constant 0 : i32
      %dma_wait3A_14 = tpu.memref_slice %arg4[%mul3A_2, %dma_wait3A_13] : memref<4096x64xf32, #tpu.memory_space<hbm>> -> memref<128x64xf32, #tpu.memory_space<hbm>>
      tpu.wait_dma2 semaphore(%run_scoped3A : memref<!tpu.dma_semaphore, #tpu.memory_space<semaphore_mem>>) src(%arg6 : memref<128x64xf32, #tpu.memory_space<vmem>>) dst(%dma_wait3A_14 : memref<128x64xf32, #tpu.memory_space<hbm>>)
      tpu.yield
    }) : () -> ()
    return
  }
}

module attributes {stable_mosaic.version = 14 : i64} {
  func.func @_h_body(%arg0: i32, %arg1: memref<512x64xf32, #tpu.memory_space<vmem>>, %arg2: memref<64x64xf32, #tpu.memory_space<vmem>>, %arg3: memref<1x64xf32, #tpu.memory_space<vmem>>, %arg4: memref<256x64xf32, #tpu.memory_space<vmem>>, %arg5: memref<64x64xf32, #tpu.memory_space<vmem>>, %arg6: memref<1x64xf32, #tpu.memory_space<vmem>>, %arg7: memref<512x256xf32, #tpu.memory_space<vmem>>) attributes {dimension_semantics = [#tpu.dimension_semantics<parallel>], iteration_bounds = array<i64: 8>, scalar_prefetch = 0 : i64, scratch_operands = 0 : i64, tpu.core_type = #tpu.core_type<tc>, window_params = [{transform_indices = @transform_0, window_bounds = array<i64: 512, 64>}, {pipeline_mode = #tpu.pipeline_mode<synchronous>, transform_indices = @transform_1, window_bounds = array<i64: 64, 64>}, {pipeline_mode = #tpu.pipeline_mode<synchronous>, transform_indices = @transform_2, window_bounds = array<i64: 1, 64>}, {pipeline_mode = #tpu.pipeline_mode<synchronous>, transform_indices = @transform_3, window_bounds = array<i64: 256, 64>}, {pipeline_mode = #tpu.pipeline_mode<synchronous>, transform_indices = @transform_4, window_bounds = array<i64: 64, 64>}, {pipeline_mode = #tpu.pipeline_mode<synchronous>, transform_indices = @transform_5, window_bounds = array<i64: 1, 64>}, {transform_indices = @transform_6, window_bounds = array<i64: 512, 256>}]} {
    %get3A = arith.constant 0 : index
    %get3A_0 = arith.constant 0 : index
    %get3A_1 = vector.load %arg1[%get3A, %get3A_0] : memref<512x64xf32, #tpu.memory_space<vmem>>, vector<512x64xf32>
    %get3A_2 = arith.constant 0 : index
    %get3A_3 = arith.constant 0 : index
    %get3A_4 = vector.load %arg2[%get3A_2, %get3A_3] : memref<64x64xf32, #tpu.memory_space<vmem>>, vector<64x64xf32>
    %dot_general3A = arith.constant dense<0.000000e+00> : vector<512x64xf32>
    %dot_general3A_5 = tpu.matmul %get3A_1, %get3A_4, %dot_general3A {dimension_numbers = #tpu.dot_dimension_numbers<[1], [1], [0], [0], [0, 0, 1, 0], [], []>, transpose_lhs_hint = false} : vector<512x64xf32>, vector<64x64xf32>, vector<512x64xf32> -> vector<512x64xf32>
    %get3A_6 = arith.constant 0 : index
    %get3A_7 = arith.constant 0 : index
    %get3A_8 = vector.load %arg3[%get3A_6, %get3A_7] : memref<1x64xf32, #tpu.memory_space<vmem>>, vector<1x64xf32>
    %add3A = vector.broadcast %get3A_8 : vector<1x64xf32> to vector<512x64xf32>
    %add3A_9 = arith.addf %dot_general3A_5, %add3A : vector<512x64xf32>
    %mul3A = arith.constant 3.000000e+00 : f32
    %mul3A_10 = vector.broadcast %mul3A : f32 to vector<512x64xf32>
    %mul3A_11 = arith.mulf %mul3A_10, %add3A_9 : vector<512x64xf32>
    %tanh3A = math.tanh %mul3A_11 : vector<512x64xf32>
    %get3A_12 = arith.constant 0 : index
    %get3A_13 = arith.constant 0 : index
    %get3A_14 = vector.load %arg4[%get3A_12, %get3A_13] : memref<256x64xf32, #tpu.memory_space<vmem>>, vector<256x64xf32>
    %get3A_15 = arith.constant 0 : index
    %get3A_16 = arith.constant 0 : index
    %get3A_17 = vector.load %arg5[%get3A_15, %get3A_16] : memref<64x64xf32, #tpu.memory_space<vmem>>, vector<64x64xf32>
    %dot_general3A_18 = arith.constant dense<0.000000e+00> : vector<256x64xf32>
    %dot_general3A_19 = tpu.matmul %get3A_14, %get3A_17, %dot_general3A_18 {dimension_numbers = #tpu.dot_dimension_numbers<[1], [1], [0], [0], [0, 0, 1, 0], [], []>, transpose_lhs_hint = false} : vector<256x64xf32>, vector<64x64xf32>, vector<256x64xf32> -> vector<256x64xf32>
    %get3A_20 = arith.constant 0 : index
    %get3A_21 = arith.constant 0 : index
    %get3A_22 = vector.load %arg6[%get3A_20, %get3A_21] : memref<1x64xf32, #tpu.memory_space<vmem>>, vector<1x64xf32>
    %add3A_23 = vector.broadcast %get3A_22 : vector<1x64xf32> to vector<256x64xf32>
    %add3A_24 = arith.addf %dot_general3A_19, %add3A_23 : vector<256x64xf32>
    %mul3A_25 = arith.constant 3.000000e+00 : f32
    %mul3A_26 = vector.broadcast %mul3A_25 : f32 to vector<256x64xf32>
    %mul3A_27 = arith.mulf %mul3A_26, %add3A_24 : vector<256x64xf32>
    %tanh3A_28 = math.tanh %mul3A_27 : vector<256x64xf32>
    %dot_general3A_29 = arith.constant dense<0.000000e+00> : vector<512x256xf32>
    %dot_general3A_30 = tpu.matmul %tanh3A, %tanh3A_28, %dot_general3A_29 {dimension_numbers = #tpu.dot_dimension_numbers<[1], [1], [0], [0], [0, 0, 1, 0], [], []>, transpose_lhs_hint = false} : vector<512x64xf32>, vector<256x64xf32>, vector<512x256xf32> -> vector<512x256xf32>
    %mul3A_31 = arith.constant 3.000000e+00 : f32
    %mul3A_32 = vector.broadcast %mul3A_31 : f32 to vector<512x256xf32>
    %mul3A_33 = arith.mulf %mul3A_32, %dot_general3A_30 : vector<512x256xf32>
    %tanh3A_34 = math.tanh %mul3A_33 : vector<512x256xf32>
    %max3A = arith.constant 0.000000e+00 : f32
    %max3A_35 = vector.broadcast %max3A : f32 to vector<512x256xf32>
    %max3A_36 = arith.maximumf %tanh3A_34, %max3A_35 : vector<512x256xf32>
    %swap3A = arith.constant 0 : index
    %swap3A_37 = arith.constant 0 : index
    %swap3A_38 = vector.load %arg7[%swap3A, %swap3A_37] : memref<512x256xf32, #tpu.memory_space<vmem>>, vector<512x256xf32>
    tpu.vector_store %arg7[%swap3A, %swap3A_37], %max3A_36 {strides = array<i32>} : memref<512x256xf32, #tpu.memory_space<vmem>>, vector<512x256xf32>,
    return
  }
  func.func @transform_0(%arg0: i32) -> (i32, i32) {
    %c0_i32 = arith.constant 0 : i32
    %c0_i32_0 = arith.constant 0 : i32
    return %arg0, %c0_i32 : i32, i32
  }
  func.func @transform_1(%arg0: i32) -> (i32, i32) {
    %c0_i32 = arith.constant 0 : i32
    %c0_i32_0 = arith.constant 0 : i32
    %c0_i32_1 = arith.constant 0 : i32
    return %c0_i32, %c0_i32_0 : i32, i32
  }
  func.func @transform_2(%arg0: i32) -> (i32, i32) {
    %c0_i32 = arith.constant 0 : i32
    %c0_i32_0 = arith.constant 0 : i32
    %c0_i32_1 = arith.constant 0 : i32
    return %c0_i32, %c0_i32_0 : i32, i32
  }
  func.func @transform_3(%arg0: i32) -> (i32, i32) {
    %c0_i32 = arith.constant 0 : i32
    %c0_i32_0 = arith.constant 0 : i32
    %c0_i32_1 = arith.constant 0 : i32
    return %c0_i32, %c0_i32_0 : i32, i32
  }
  func.func @transform_4(%arg0: i32) -> (i32, i32) {
    %c0_i32 = arith.constant 0 : i32
    %c0_i32_0 = arith.constant 0 : i32
    %c0_i32_1 = arith.constant 0 : i32
    return %c0_i32, %c0_i32_0 : i32, i32
  }
  func.func @transform_5(%arg0: i32) -> (i32, i32) {
    %c0_i32 = arith.constant 0 : i32
    %c0_i32_0 = arith.constant 0 : i32
    %c0_i32_1 = arith.constant 0 : i32
    return %c0_i32, %c0_i32_0 : i32, i32
  }
  func.func @transform_6(%arg0: i32) -> (i32, i32) {
    %c0_i32 = arith.constant 0 : i32
    %c0_i32_0 = arith.constant 0 : i32
    return %arg0, %c0_i32 : i32, i32
  }
}

module attributes {stable_mosaic.version = 14 : i64} {
  func.func @_fused_body(%arg0: i32, %arg1: memref<256x256xf32, #tpu.memory_space<vmem>>, %arg2: memref<256x256xf32, #tpu.memory_space<vmem>>, %arg3: memref<4096x256xf32, #tpu.memory_space<vmem>>, %arg4: memref<256x4096xf32, #tpu.memory_space<vmem>>, %arg5: memref<4096x256xi16, #tpu.memory_space<vmem>>, %arg6: memref<4096x256xi16, #tpu.memory_space<vmem>>, %arg7: memref<16x256xi32, #tpu.memory_space<vmem>>, %arg8: memref<16x256xi32, #tpu.memory_space<vmem>>) attributes {dimension_semantics = [#tpu.dimension_semantics<arbitrary>], iteration_bounds = array<i64: 17>, scalar_prefetch = 0 : i64, scratch_operands = 4 : i64, tpu.core_type = #tpu.core_type<tc>, window_params = [{transform_indices = @transform_0, window_bounds = array<i64: 256, 256>}, {transform_indices = @transform_1, window_bounds = array<i64: 256, 256>}, {pipeline_mode = #tpu.pipeline_mode<synchronous>, transform_indices = @transform_2, window_bounds = array<i64: 4096, 256>}, {transform_indices = @transform_3, window_bounds = array<i64: 256, 4096>}]} {
    %get3A = arith.constant 0 : index
    %get3A_0 = arith.constant 0 : index
    %get3A_1 = vector.load %arg3[%get3A, %get3A_0] : memref<4096x256xf32, #tpu.memory_space<vmem>>, vector<4096x256xf32>
    %get3A_2 = arith.constant 0 : index
    %get3A_3 = arith.constant 0 : index
    %get3A_4 = vector.load %arg1[%get3A_2, %get3A_3] : memref<256x256xf32, #tpu.memory_space<vmem>>, vector<256x256xf32>
    %dot_general3A = arith.constant dense<0.000000e+00> : vector<4096x256xf32>
    %dot_general3A_5 = tpu.matmul %get3A_1, %get3A_4, %dot_general3A {dimension_numbers = #tpu.dot_dimension_numbers<[1], [1], [0], [0], [0, 0, 1, 0], [], []>, transpose_lhs_hint = false} : vector<4096x256xf32>, vector<256x256xf32>, vector<4096x256xf32> -> vector<4096x256xf32>
    %bitcast_convert_type3A = tpu.bitcast %dot_general3A_5 : vector<4096x256xf32> -> vector<4096x256xi32>
    %shift_right_arithmetic3A = arith.constant 15 : i32
    %shift_right_arithmetic3A_6 = vector.broadcast %shift_right_arithmetic3A : i32 to vector<4096x256xi32>
    %shift_right_arithmetic3A_7 = arith.shrsi %bitcast_convert_type3A, %shift_right_arithmetic3A_6 : vector<4096x256xi32>
    %sub3A = arith.constant 32768 : i32
    %sub3A_8 = vector.broadcast %sub3A : i32 to vector<4096x256xi32>
    %sub3A_9 = arith.subi %shift_right_arithmetic3A_7, %sub3A_8 : vector<4096x256xi32>
    %convert_element_type3A = arith.trunci %sub3A_9 : vector<4096x256xi32> to vector<4096x256xi16>
    %swap3A = arith.constant 0 : index
    %swap3A_10 = arith.constant 0 : index
    %swap3A_11 = vector.load %arg5[%swap3A, %swap3A_10] : memref<4096x256xi16, #tpu.memory_space<vmem>>, vector<4096x256xi16>
    tpu.vector_store %arg5[%swap3A, %swap3A_10], %convert_element_type3A {strides = array<i32>} : memref<4096x256xi16, #tpu.memory_space<vmem>>, vector<4096x256xi16>,
    %and3A = arith.constant 32767 : i32
    %and3A_12 = vector.broadcast %and3A : i32 to vector<4096x256xi32>
    %and3A_13 = arith.andi %bitcast_convert_type3A, %and3A_12 : vector<4096x256xi32>
    %convert_element_type3A_14 = arith.trunci %and3A_13 : vector<4096x256xi32> to vector<4096x256xi16>
    %swap3A_15 = arith.constant 0 : index
    %swap3A_16 = arith.constant 0 : index
    %swap3A_17 = vector.load %arg6[%swap3A_15, %swap3A_16] : memref<4096x256xi16, #tpu.memory_space<vmem>>, vector<4096x256xi16>
    tpu.vector_store %arg6[%swap3A_15, %swap3A_16], %convert_element_type3A_14 {strides = array<i32>} : memref<4096x256xi16, #tpu.memory_space<vmem>>, vector<4096x256xi16>,
    %slice3A = vector.extract_strided_slice %bitcast_convert_type3A {offsets = [0, 0], sizes = [2048, 256], strides = [1, 1]} : vector<4096x256xi32> to vector<2048x256xi32>
    %slice3A_18 = vector.extract_strided_slice %bitcast_convert_type3A {offsets = [2048, 0], sizes = [2048, 256], strides = [1, 1]} : vector<4096x256xi32> to vector<2048x256xi32>
    %max3A = arith.maxsi %slice3A, %slice3A_18 : vector<2048x256xi32>
    %slice3A_19 = vector.extract_strided_slice %max3A {offsets = [0, 0], sizes = [1024, 256], strides = [1, 1]} : vector<2048x256xi32> to vector<1024x256xi32>
    %slice3A_20 = vector.extract_strided_slice %max3A {offsets = [1024, 0], sizes = [1024, 256], strides = [1, 1]} : vector<2048x256xi32> to vector<1024x256xi32>
    %max3A_21 = arith.maxsi %slice3A_19, %slice3A_20 : vector<1024x256xi32>
    %slice3A_22 = vector.extract_strided_slice %max3A_21 {offsets = [0, 0], sizes = [512, 256], strides = [1, 1]} : vector<1024x256xi32> to vector<512x256xi32>
    %slice3A_23 = vector.extract_strided_slice %max3A_21 {offsets = [512, 0], sizes = [512, 256], strides = [1, 1]} : vector<1024x256xi32> to vector<512x256xi32>
    %max3A_24 = arith.maxsi %slice3A_22, %slice3A_23 : vector<512x256xi32>
    %slice3A_25 = vector.extract_strided_slice %max3A_24 {offsets = [0, 0], sizes = [256, 256], strides = [1, 1]} : vector<512x256xi32> to vector<256x256xi32>
    %slice3A_26 = vector.extract_strided_slice %max3A_24 {offsets = [256, 0], sizes = [256, 256], strides = [1, 1]} : vector<512x256xi32> to vector<256x256xi32>
    %max3A_27 = arith.maxsi %slice3A_25, %slice3A_26 : vector<256x256xi32>
    %slice3A_28 = vector.extract_strided_slice %max3A_27 {offsets = [0, 0], sizes = [128, 256], strides = [1, 1]} : vector<256x256xi32> to vector<128x256xi32>
    %slice3A_29 = vector.extract_strided_slice %max3A_27 {offsets = [128, 0], sizes = [128, 256], strides = [1, 1]} : vector<256x256xi32> to vector<128x256xi32>
    %max3A_30 = arith.maxsi %slice3A_28, %slice3A_29 : vector<128x256xi32>
    %shift_right_arithmetic3A_31 = arith.constant 15 : i32
    %shift_right_arithmetic3A_32 = vector.broadcast %shift_right_arithmetic3A_31 : i32 to vector<128x256xi32>
    %shift_right_arithmetic3A_33 = arith.shrsi %max3A_30, %shift_right_arithmetic3A_32 : vector<128x256xi32>
    %sub3A_34 = arith.constant 32768 : i32
    %sub3A_35 = vector.broadcast %sub3A_34 : i32 to vector<128x256xi32>
    %sub3A_36 = arith.subi %shift_right_arithmetic3A_33, %sub3A_35 : vector<128x256xi32>
    %reduce_max3A = arith.constant dense<-2147483648> : vector<256xi32>
    %reduce_max3A_37 = vector.multi_reduction <maxsi>, %max3A_30, %reduce_max3A [0] : vector<128x256xi32> to vector<256xi32>
    %broadcast_in_dim3A = vector.shape_cast %reduce_max3A_37 : vector<256xi32> to vector<1x256xi32>
    %shift_right_arithmetic3A_38 = arith.constant 15 : i32
    %shift_right_arithmetic3A_39 = vector.broadcast %shift_right_arithmetic3A_38 : i32 to vector<1x256xi32>
    %shift_right_arithmetic3A_40 = arith.shrsi %broadcast_in_dim3A, %shift_right_arithmetic3A_39 : vector<1x256xi32>
    %sub3A_41 = arith.constant 32768 : i32
    %sub3A_42 = vector.broadcast %sub3A_41 : i32 to vector<1x256xi32>
    %sub3A_43 = arith.subi %shift_right_arithmetic3A_40, %sub3A_42 : vector<1x256xi32>
    %broadcast_in_dim3A_44 = arith.constant -32768 : i32
    %broadcast_in_dim3A_45 = vector.broadcast %broadcast_in_dim3A_44 : i32 to vector<1x256xi32>
    %scan3A = arith.constant 0 : i32
    %scan3A_46 = arith.constant 16 : i32
    %scan3A_47 = arith.addi %scan3A, %scan3A_46 : i32
    %scan3A_48 = arith.constant 1 : i32
    %scan3A_49:2 = scf.for %scan3A_234 = %scan3A to %scan3A_47 step %scan3A_48 iter_args(%scan3A_235 = %broadcast_in_dim3A_45, %scan3A_236 = %sub3A_43) -> (vector<1x256xi32>, vector<1x256xi32>)  : i32 {
      %sub3A_237 = arith.subi %scan3A_236, %scan3A_235 : vector<1x256xi32>
      %add3A_238 = arith.constant 1 : i32
      %add3A_239 = vector.broadcast %add3A_238 : i32 to vector<1x256xi32>
      %add3A_240 = arith.addi %sub3A_237, %add3A_239 : vector<1x256xi32>
      %shift_right_arithmetic3A_241 = arith.constant 1 : i32
      %shift_right_arithmetic3A_242 = vector.broadcast %shift_right_arithmetic3A_241 : i32 to vector<1x256xi32>
      %shift_right_arithmetic3A_243 = arith.shrsi %add3A_240, %shift_right_arithmetic3A_242 : vector<1x256xi32>
      %add3A_244 = arith.addi %scan3A_235, %shift_right_arithmetic3A_243 : vector<1x256xi32>
      %ge3A = vector.broadcast %add3A_244 : vector<1x256xi32> to vector<128x256xi32>
      %ge3A_245 = arith.cmpi sge, %sub3A_36, %ge3A : vector<128x256xi32>
      %convert_element_type3A_246 = arith.extui %ge3A_245 : vector<128x256xi1> to vector<128x256xi32>
      %reduce_sum3A_247 = arith.constant dense<0> : vector<256xi32>
      %reduce_sum3A_248 = vector.multi_reduction <add>, %convert_element_type3A_246, %reduce_sum3A_247 [0] : vector<128x256xi32> to vector<256xi32>
      %broadcast_in_dim3A_249 = vector.shape_cast %reduce_sum3A_248 : vector<256xi32> to vector<1x256xi32>
      %ge3A_250 = arith.constant 20 : i32
      %ge3A_251 = vector.broadcast %ge3A_250 : i32 to vector<1x256xi32>
      %ge3A_252 = arith.cmpi sge, %broadcast_in_dim3A_249, %ge3A_251 : vector<1x256xi32>
      %select_n3A_253 = arith.select %ge3A_252, %add3A_244, %scan3A_235 : vector<1x256xi1>, vector<1x256xi32>
      %sub3A_254 = arith.constant 1 : i32
      %sub3A_255 = vector.broadcast %sub3A_254 : i32 to vector<1x256xi32>
      %sub3A_256 = arith.subi %add3A_244, %sub3A_255 : vector<1x256xi32>
      %select_n3A_257 = arith.select %ge3A_252, %scan3A_236, %sub3A_256 : vector<1x256xi1>, vector<1x256xi32>
      scf.yield %select_n3A_253, %select_n3A_257 : vector<1x256xi32>, vector<1x256xi32>
    }
    %while3A:2 = scf.while (%while3A_234 = %scan3A_49#0, %while3A_235 = %sub3A_43) : (vector<1x256xi32>, vector<1x256xi32>) -> (vector<1x256xi32>, vector<1x256xi32>) {
      %lt3A = arith.cmpi slt, %while3A_234, %while3A_235 : vector<1x256xi32>
      %reduce_or3A = arith.constant 1.000000e+00 : f32
      %reduce_or3A_236 = arith.constant 0.000000e+00 : f32
      %reduce_or3A_237 = vector.broadcast %reduce_or3A : f32 to vector<1x256xf32>
      %reduce_or3A_238 = vector.broadcast %reduce_or3A_236 : f32 to vector<1x256xf32>
      %reduce_or3A_239 = arith.select %lt3A, %reduce_or3A_237, %reduce_or3A_238 : vector<1x256xi1>, vector<1x256xf32>
      %reduce_or3A_240 = vector.shape_cast %reduce_or3A_239 : vector<1x256xf32> to vector<1x1x256xf32>
      %reduce_or3A_241 = arith.constant dense<0xFF800000> : vector<1xf32>
      %reduce_or3A_242 = vector.multi_reduction <maximumf>, %reduce_or3A_240, %reduce_or3A_241 [1, 2] : vector<1x1x256xf32> to vector<1xf32>
      %reduce_or3A_243 = vector.shape_cast %reduce_or3A_242 : vector<1xf32> to vector<1x1x1xf32>
      %reduce_or3A_244 = vector.extract %reduce_or3A_243[0, 0, 0] : f32 from vector<1x1x1xf32>
      %reduce_or3A_245 = arith.constant 0.000000e+00 : f32
      %reduce_or3A_246 = arith.cmpf ogt, %reduce_or3A_244, %reduce_or3A_245 : f32
      scf.condition(%reduce_or3A_246) %while3A_234, %while3A_235 : vector<1x256xi32>, vector<1x256xi32>
    } do {
    ^bb0(%while3A_234: vector<1x256xi32>, %while3A_235: vector<1x256xi32>):
      %sub3A_236 = arith.subi %while3A_235, %while3A_234 : vector<1x256xi32>
      %add3A_237 = arith.constant 1 : i32
      %add3A_238 = vector.broadcast %add3A_237 : i32 to vector<1x256xi32>
      %add3A_239 = arith.addi %sub3A_236, %add3A_238 : vector<1x256xi32>
      %shift_right_arithmetic3A_240 = arith.constant 1 : i32
      %shift_right_arithmetic3A_241 = vector.broadcast %shift_right_arithmetic3A_240 : i32 to vector<1x256xi32>
      %shift_right_arithmetic3A_242 = arith.shrsi %add3A_239, %shift_right_arithmetic3A_241 : vector<1x256xi32>
      %add3A_243 = arith.addi %while3A_234, %shift_right_arithmetic3A_242 : vector<1x256xi32>
      %convert_element_type3A_244 = arith.trunci %add3A_243 : vector<1x256xi32> to vector<1x256xi16>
      %get3A_245 = arith.constant 0 : index
      %get3A_246 = arith.constant 0 : index
      %get3A_247 = vector.load %arg5[%get3A_245, %get3A_246] : memref<4096x256xi16, #tpu.memory_space<vmem>>, vector<4096x256xi16>
      %ge3A = vector.broadcast %convert_element_type3A_244 : vector<1x256xi16> to vector<4096x256xi16>
      %ge3A_248 = arith.cmpi sge, %get3A_247, %ge3A : vector<4096x256xi16>
      %convert_element_type3A_249 = arith.extui %ge3A_248 : vector<4096x256xi1> to vector<4096x256xi16>
      %slice3A_250 = vector.extract_strided_slice %convert_element_type3A_249 {offsets = [0, 0], sizes = [2048, 256], strides = [1, 1]} : vector<4096x256xi16> to vector<2048x256xi16>
      %slice3A_251 = vector.extract_strided_slice %convert_element_type3A_249 {offsets = [2048, 0], sizes = [2048, 256], strides = [1, 1]} : vector<4096x256xi16> to vector<2048x256xi16>
      %add3A_252 = arith.addi %slice3A_250, %slice3A_251 : vector<2048x256xi16>
      %slice3A_253 = vector.extract_strided_slice %add3A_252 {offsets = [0, 0], sizes = [1024, 256], strides = [1, 1]} : vector<2048x256xi16> to vector<1024x256xi16>
      %slice3A_254 = vector.extract_strided_slice %add3A_252 {offsets = [1024, 0], sizes = [1024, 256], strides = [1, 1]} : vector<2048x256xi16> to vector<1024x256xi16>
      %add3A_255 = arith.addi %slice3A_253, %slice3A_254 : vector<1024x256xi16>
      %slice3A_256 = vector.extract_strided_slice %add3A_255 {offsets = [0, 0], sizes = [512, 256], strides = [1, 1]} : vector<1024x256xi16> to vector<512x256xi16>
      %slice3A_257 = vector.extract_strided_slice %add3A_255 {offsets = [512, 0], sizes = [512, 256], strides = [1, 1]} : vector<1024x256xi16> to vector<512x256xi16>
      %add3A_258 = arith.addi %slice3A_256, %slice3A_257 : vector<512x256xi16>
      %slice3A_259 = vector.extract_strided_slice %add3A_258 {offsets = [0, 0], sizes = [256, 256], strides = [1, 1]} : vector<512x256xi16> to vector<256x256xi16>
      %slice3A_260 = vector.extract_strided_slice %add3A_258 {offsets = [256, 0], sizes = [256, 256], strides = [1, 1]} : vector<512x256xi16> to vector<256x256xi16>
      %add3A_261 = arith.addi %slice3A_259, %slice3A_260 : vector<256x256xi16>
      %slice3A_262 = vector.extract_strided_slice %add3A_261 {offsets = [0, 0], sizes = [128, 256], strides = [1, 1]} : vector<256x256xi16> to vector<128x256xi16>
      %slice3A_263 = vector.extract_strided_slice %add3A_261 {offsets = [128, 0], sizes = [128, 256], strides = [1, 1]} : vector<256x256xi16> to vector<128x256xi16>
      %add3A_264 = arith.addi %slice3A_262, %slice3A_263 : vector<128x256xi16>
      %slice3A_265 = vector.extract_strided_slice %add3A_264 {offsets = [0, 0], sizes = [64, 256], strides = [1, 1]} : vector<128x256xi16> to vector<64x256xi16>
      %slice3A_266 = vector.extract_strided_slice %add3A_264 {offsets = [64, 0], sizes = [64, 256], strides = [1, 1]} : vector<128x256xi16> to vector<64x256xi16>
      %add3A_267 = arith.addi %slice3A_265, %slice3A_266 : vector<64x256xi16>
      %slice3A_268 = vector.extract_strided_slice %add3A_267 {offsets = [0, 0], sizes = [32, 256], strides = [1, 1]} : vector<64x256xi16> to vector<32x256xi16>
      %slice3A_269 = vector.extract_strided_slice %add3A_267 {offsets = [32, 0], sizes = [32, 256], strides = [1, 1]} : vector<64x256xi16> to vector<32x256xi16>
      %add3A_270 = arith.addi %slice3A_268, %slice3A_269 : vector<32x256xi16>
      %slice3A_271 = vector.extract_strided_slice %add3A_270 {offsets = [0, 0], sizes = [16, 256], strides = [1, 1]} : vector<32x256xi16> to vector<16x256xi16>
      %slice3A_272 = vector.extract_strided_slice %add3A_270 {offsets = [16, 0], sizes = [16, 256], strides = [1, 1]} : vector<32x256xi16> to vector<16x256xi16>
      %add3A_273 = arith.addi %slice3A_271, %slice3A_272 : vector<16x256xi16>
      %convert_element_type3A_274 = arith.extsi %add3A_273 : vector<16x256xi16> to vector<16x256xi32>
      %reduce_sum3A_275 = arith.constant dense<0> : vector<256xi32>
      %reduce_sum3A_276 = vector.multi_reduction <add>, %convert_element_type3A_274, %reduce_sum3A_275 [0] : vector<16x256xi32> to vector<256xi32>
      %broadcast_in_dim3A_277 = vector.shape_cast %reduce_sum3A_276 : vector<256xi32> to vector<1x256xi32>
      %ge3A_278 = arith.constant 20 : i32
      %ge3A_279 = vector.broadcast %ge3A_278 : i32 to vector<1x256xi32>
      %ge3A_280 = arith.cmpi sge, %broadcast_in_dim3A_277, %ge3A_279 : vector<1x256xi32>
      %select_n3A_281 = arith.select %ge3A_280, %add3A_243, %while3A_234 : vector<1x256xi1>, vector<1x256xi32>
      %sub3A_282 = arith.constant 1 : i32
      %sub3A_283 = vector.broadcast %sub3A_282 : i32 to vector<1x256xi32>
      %sub3A_284 = arith.subi %add3A_243, %sub3A_283 : vector<1x256xi32>
      %select_n3A_285 = arith.select %ge3A_280, %while3A_235, %sub3A_284 : vector<1x256xi1>, vector<1x256xi32>
      scf.yield %select_n3A_281, %select_n3A_285 : vector<1x256xi32>, vector<1x256xi32>
    }
    %convert_element_type3A_50 = arith.trunci %while3A#0 : vector<1x256xi32> to vector<1x256xi16>
    %get3A_51 = arith.constant 0 : index
    %get3A_52 = arith.constant 0 : index
    %get3A_53 = vector.load %arg5[%get3A_51, %get3A_52] : memref<4096x256xi16, #tpu.memory_space<vmem>>, vector<4096x256xi16>
    %gt3A = vector.broadcast %convert_element_type3A_50 : vector<1x256xi16> to vector<4096x256xi16>
    %gt3A_54 = arith.cmpi sgt, %get3A_53, %gt3A : vector<4096x256xi16>
    %convert_element_type3A_55 = arith.extui %gt3A_54 : vector<4096x256xi1> to vector<4096x256xi16>
    %slice3A_56 = vector.extract_strided_slice %convert_element_type3A_55 {offsets = [0, 0], sizes = [2048, 256], strides = [1, 1]} : vector<4096x256xi16> to vector<2048x256xi16>
    %slice3A_57 = vector.extract_strided_slice %convert_element_type3A_55 {offsets = [2048, 0], sizes = [2048, 256], strides = [1, 1]} : vector<4096x256xi16> to vector<2048x256xi16>
    %add3A = arith.addi %slice3A_56, %slice3A_57 : vector<2048x256xi16>
    %slice3A_58 = vector.extract_strided_slice %add3A {offsets = [0, 0], sizes = [1024, 256], strides = [1, 1]} : vector<2048x256xi16> to vector<1024x256xi16>
    %slice3A_59 = vector.extract_strided_slice %add3A {offsets = [1024, 0], sizes = [1024, 256], strides = [1, 1]} : vector<2048x256xi16> to vector<1024x256xi16>
    %add3A_60 = arith.addi %slice3A_58, %slice3A_59 : vector<1024x256xi16>
    %slice3A_61 = vector.extract_strided_slice %add3A_60 {offsets = [0, 0], sizes = [512, 256], strides = [1, 1]} : vector<1024x256xi16> to vector<512x256xi16>
    %slice3A_62 = vector.extract_strided_slice %add3A_60 {offsets = [512, 0], sizes = [512, 256], strides = [1, 1]} : vector<1024x256xi16> to vector<512x256xi16>
    %add3A_63 = arith.addi %slice3A_61, %slice3A_62 : vector<512x256xi16>
    %slice3A_64 = vector.extract_strided_slice %add3A_63 {offsets = [0, 0], sizes = [256, 256], strides = [1, 1]} : vector<512x256xi16> to vector<256x256xi16>
    %slice3A_65 = vector.extract_strided_slice %add3A_63 {offsets = [256, 0], sizes = [256, 256], strides = [1, 1]} : vector<512x256xi16> to vector<256x256xi16>
    %add3A_66 = arith.addi %slice3A_64, %slice3A_65 : vector<256x256xi16>
    %slice3A_67 = vector.extract_strided_slice %add3A_66 {offsets = [0, 0], sizes = [128, 256], strides = [1, 1]} : vector<256x256xi16> to vector<128x256xi16>
    %slice3A_68 = vector.extract_strided_slice %add3A_66 {offsets = [128, 0], sizes = [128, 256], strides = [1, 1]} : vector<256x256xi16> to vector<128x256xi16>
    %add3A_69 = arith.addi %slice3A_67, %slice3A_68 : vector<128x256xi16>
    %slice3A_70 = vector.extract_strided_slice %add3A_69 {offsets = [0, 0], sizes = [64, 256], strides = [1, 1]} : vector<128x256xi16> to vector<64x256xi16>
    %slice3A_71 = vector.extract_strided_slice %add3A_69 {offsets = [64, 0], sizes = [64, 256], strides = [1, 1]} : vector<128x256xi16> to vector<64x256xi16>
    %add3A_72 = arith.addi %slice3A_70, %slice3A_71 : vector<64x256xi16>
    %slice3A_73 = vector.extract_strided_slice %add3A_72 {offsets = [0, 0], sizes = [32, 256], strides = [1, 1]} : vector<64x256xi16> to vector<32x256xi16>
    %slice3A_74 = vector.extract_strided_slice %add3A_72 {offsets = [32, 0], sizes = [32, 256], strides = [1, 1]} : vector<64x256xi16> to vector<32x256xi16>
    %add3A_75 = arith.addi %slice3A_73, %slice3A_74 : vector<32x256xi16>
    %slice3A_76 = vector.extract_strided_slice %add3A_75 {offsets = [0, 0], sizes = [16, 256], strides = [1, 1]} : vector<32x256xi16> to vector<16x256xi16>
    %slice3A_77 = vector.extract_strided_slice %add3A_75 {offsets = [16, 0], sizes = [16, 256], strides = [1, 1]} : vector<32x256xi16> to vector<16x256xi16>
    %add3A_78 = arith.addi %slice3A_76, %slice3A_77 : vector<16x256xi16>
    %convert_element_type3A_79 = arith.extsi %add3A_78 : vector<16x256xi16> to vector<16x256xi32>
    %reduce_sum3A = arith.constant dense<0> : vector<256xi32>
    %reduce_sum3A_80 = vector.multi_reduction <add>, %convert_element_type3A_79, %reduce_sum3A [0] : vector<16x256xi32> to vector<256xi32>
    %broadcast_in_dim3A_81 = vector.shape_cast %reduce_sum3A_80 : vector<256xi32> to vector<1x256xi32>
    %sub3A_82 = arith.constant 20 : i32
    %sub3A_83 = vector.broadcast %sub3A_82 : i32 to vector<1x256xi32>
    %sub3A_84 = arith.subi %sub3A_83, %broadcast_in_dim3A_81 : vector<1x256xi32>
    %get3A_85 = arith.constant 0 : index
    %get3A_86 = arith.constant 0 : index
    %get3A_87 = vector.load %arg5[%get3A_85, %get3A_86] : memref<4096x256xi16, #tpu.memory_space<vmem>>, vector<4096x256xi16>
    %eq3A = vector.broadcast %convert_element_type3A_50 : vector<1x256xi16> to vector<4096x256xi16>
    %eq3A_88 = arith.cmpi eq, %get3A_87, %eq3A : vector<4096x256xi16>
    %get3A_89 = arith.constant 0 : index
    %get3A_90 = arith.constant 0 : index
    %get3A_91 = vector.load %arg6[%get3A_89, %get3A_90] : memref<4096x256xi16, #tpu.memory_space<vmem>>, vector<4096x256xi16>
    %jit3A = arith.constant -1 : i16
    %broadcast_in_dim3A_92 = vector.broadcast %jit3A : i16 to vector<4096x256xi16>
    %select_n3A = arith.select %eq3A_88, %get3A_91, %broadcast_in_dim3A_92 : vector<4096x256xi1>, vector<4096x256xi16>
    %swap3A_93 = arith.constant 0 : index
    %swap3A_94 = arith.constant 0 : index
    %swap3A_95 = vector.load %arg6[%swap3A_93, %swap3A_94] : memref<4096x256xi16, #tpu.memory_space<vmem>>, vector<4096x256xi16>
    tpu.vector_store %arg6[%swap3A_93, %swap3A_94], %select_n3A {strides = array<i32>} : memref<4096x256xi16, #tpu.memory_space<vmem>>, vector<4096x256xi16>,
    %broadcast_in_dim3A_96 = arith.constant 0 : i32
    %broadcast_in_dim3A_97 = vector.broadcast %broadcast_in_dim3A_96 : i32 to vector<1x256xi32>
    %broadcast_in_dim3A_98 = arith.constant 32767 : i32
    %broadcast_in_dim3A_99 = vector.broadcast %broadcast_in_dim3A_98 : i32 to vector<1x256xi32>
    %scan3A_100 = arith.constant 0 : i32
    %scan3A_101 = arith.constant 15 : i32
    %scan3A_102 = arith.addi %scan3A_100, %scan3A_101 : i32
    %scan3A_103 = arith.constant 1 : i32
    %scan3A_104:2 = scf.for %scan3A_234 = %scan3A_100 to %scan3A_102 step %scan3A_103 iter_args(%scan3A_235 = %broadcast_in_dim3A_97, %scan3A_236 = %broadcast_in_dim3A_99) -> (vector<1x256xi32>, vector<1x256xi32>)  : i32 {
      %sub3A_237 = arith.subi %scan3A_236, %scan3A_235 : vector<1x256xi32>
      %add3A_238 = arith.constant 1 : i32
      %add3A_239 = vector.broadcast %add3A_238 : i32 to vector<1x256xi32>
      %add3A_240 = arith.addi %sub3A_237, %add3A_239 : vector<1x256xi32>
      %shift_right_arithmetic3A_241 = arith.constant 1 : i32
      %shift_right_arithmetic3A_242 = vector.broadcast %shift_right_arithmetic3A_241 : i32 to vector<1x256xi32>
      %shift_right_arithmetic3A_243 = arith.shrsi %add3A_240, %shift_right_arithmetic3A_242 : vector<1x256xi32>
      %add3A_244 = arith.addi %scan3A_235, %shift_right_arithmetic3A_243 : vector<1x256xi32>
      %convert_element_type3A_245 = arith.trunci %add3A_244 : vector<1x256xi32> to vector<1x256xi16>
      %get3A_246 = arith.constant 0 : index
      %get3A_247 = arith.constant 0 : index
      %get3A_248 = vector.load %arg6[%get3A_246, %get3A_247] : memref<4096x256xi16, #tpu.memory_space<vmem>>, vector<4096x256xi16>
      %ge3A = vector.broadcast %convert_element_type3A_245 : vector<1x256xi16> to vector<4096x256xi16>
      %ge3A_249 = arith.cmpi sge, %get3A_248, %ge3A : vector<4096x256xi16>
      %convert_element_type3A_250 = arith.extui %ge3A_249 : vector<4096x256xi1> to vector<4096x256xi16>
      %slice3A_251 = vector.extract_strided_slice %convert_element_type3A_250 {offsets = [0, 0], sizes = [2048, 256], strides = [1, 1]} : vector<4096x256xi16> to vector<2048x256xi16>
      %slice3A_252 = vector.extract_strided_slice %convert_element_type3A_250 {offsets = [2048, 0], sizes = [2048, 256], strides = [1, 1]} : vector<4096x256xi16> to vector<2048x256xi16>
      %add3A_253 = arith.addi %slice3A_251, %slice3A_252 : vector<2048x256xi16>
      %slice3A_254 = vector.extract_strided_slice %add3A_253 {offsets = [0, 0], sizes = [1024, 256], strides = [1, 1]} : vector<2048x256xi16> to vector<1024x256xi16>
      %slice3A_255 = vector.extract_strided_slice %add3A_253 {offsets = [1024, 0], sizes = [1024, 256], strides = [1, 1]} : vector<2048x256xi16> to vector<1024x256xi16>
      %add3A_256 = arith.addi %slice3A_254, %slice3A_255 : vector<1024x256xi16>
      %slice3A_257 = vector.extract_strided_slice %add3A_256 {offsets = [0, 0], sizes = [512, 256], strides = [1, 1]} : vector<1024x256xi16> to vector<512x256xi16>
      %slice3A_258 = vector.extract_strided_slice %add3A_256 {offsets = [512, 0], sizes = [512, 256], strides = [1, 1]} : vector<1024x256xi16> to vector<512x256xi16>
      %add3A_259 = arith.addi %slice3A_257, %slice3A_258 : vector<512x256xi16>
      %slice3A_260 = vector.extract_strided_slice %add3A_259 {offsets = [0, 0], sizes = [256, 256], strides = [1, 1]} : vector<512x256xi16> to vector<256x256xi16>
      %slice3A_261 = vector.extract_strided_slice %add3A_259 {offsets = [256, 0], sizes = [256, 256], strides = [1, 1]} : vector<512x256xi16> to vector<256x256xi16>
      %add3A_262 = arith.addi %slice3A_260, %slice3A_261 : vector<256x256xi16>
      %slice3A_263 = vector.extract_strided_slice %add3A_262 {offsets = [0, 0], sizes = [128, 256], strides = [1, 1]} : vector<256x256xi16> to vector<128x256xi16>
      %slice3A_264 = vector.extract_strided_slice %add3A_262 {offsets = [128, 0], sizes = [128, 256], strides = [1, 1]} : vector<256x256xi16> to vector<128x256xi16>
      %add3A_265 = arith.addi %slice3A_263, %slice3A_264 : vector<128x256xi16>
      %slice3A_266 = vector.extract_strided_slice %add3A_265 {offsets = [0, 0], sizes = [64, 256], strides = [1, 1]} : vector<128x256xi16> to vector<64x256xi16>
      %slice3A_267 = vector.extract_strided_slice %add3A_265 {offsets = [64, 0], sizes = [64, 256], strides = [1, 1]} : vector<128x256xi16> to vector<64x256xi16>
      %add3A_268 = arith.addi %slice3A_266, %slice3A_267 : vector<64x256xi16>
      %slice3A_269 = vector.extract_strided_slice %add3A_268 {offsets = [0, 0], sizes = [32, 256], strides = [1, 1]} : vector<64x256xi16> to vector<32x256xi16>
      %slice3A_270 = vector.extract_strided_slice %add3A_268 {offsets = [32, 0], sizes = [32, 256], strides = [1, 1]} : vector<64x256xi16> to vector<32x256xi16>
      %add3A_271 = arith.addi %slice3A_269, %slice3A_270 : vector<32x256xi16>
      %slice3A_272 = vector.extract_strided_slice %add3A_271 {offsets = [0, 0], sizes = [16, 256], strides = [1, 1]} : vector<32x256xi16> to vector<16x256xi16>
      %slice3A_273 = vector.extract_strided_slice %add3A_271 {offsets = [16, 0], sizes = [16, 256], strides = [1, 1]} : vector<32x256xi16> to vector<16x256xi16>
      %add3A_274 = arith.addi %slice3A_272, %slice3A_273 : vector<16x256xi16>
      %convert_element_type3A_275 = arith.extsi %add3A_274 : vector<16x256xi16> to vector<16x256xi32>
      %reduce_sum3A_276 = arith.constant dense<0> : vector<256xi32>
      %reduce_sum3A_277 = vector.multi_reduction <add>, %convert_element_type3A_275, %reduce_sum3A_276 [0] : vector<16x256xi32> to vector<256xi32>
      %broadcast_in_dim3A_278 = vector.shape_cast %reduce_sum3A_277 : vector<256xi32> to vector<1x256xi32>
      %ge3A_279 = arith.cmpi sge, %broadcast_in_dim3A_278, %sub3A_84 : vector<1x256xi32>
      %select_n3A_280 = arith.select %ge3A_279, %add3A_244, %scan3A_235 : vector<1x256xi1>, vector<1x256xi32>
      %sub3A_281 = arith.constant 1 : i32
      %sub3A_282 = vector.broadcast %sub3A_281 : i32 to vector<1x256xi32>
      %sub3A_283 = arith.subi %add3A_244, %sub3A_282 : vector<1x256xi32>
      %select_n3A_284 = arith.select %ge3A_279, %scan3A_236, %sub3A_283 : vector<1x256xi1>, vector<1x256xi32>
      scf.yield %select_n3A_280, %select_n3A_284 : vector<1x256xi32>, vector<1x256xi32>
    }
    %add3A_105 = arith.constant 32768 : i32
    %add3A_106 = vector.broadcast %add3A_105 : i32 to vector<1x256xi32>
    %add3A_107 = arith.addi %while3A#0, %add3A_106 : vector<1x256xi32>
    %shift_left3A = arith.constant 15 : i32
    %shift_left3A_108 = vector.broadcast %shift_left3A : i32 to vector<1x256xi32>
    %shift_left3A_109 = arith.shli %add3A_107, %shift_left3A_108 : vector<1x256xi32>
    %or3A = arith.ori %shift_left3A_109, %scan3A_104#0 : vector<1x256xi32>
    %convert_element_type3A_110 = arith.trunci %scan3A_104#0 : vector<1x256xi32> to vector<1x256xi16>
    %get3A_111 = arith.constant 0 : index
    %get3A_112 = arith.constant 0 : index
    %get3A_113 = vector.load %arg6[%get3A_111, %get3A_112] : memref<4096x256xi16, #tpu.memory_space<vmem>>, vector<4096x256xi16>
    %gt3A_114 = vector.broadcast %convert_element_type3A_110 : vector<1x256xi16> to vector<4096x256xi16>
    %gt3A_115 = arith.cmpi sgt, %get3A_113, %gt3A_114 : vector<4096x256xi16>
    %convert_element_type3A_116 = arith.extui %gt3A_115 : vector<4096x256xi1> to vector<4096x256xi16>
    %slice3A_117 = vector.extract_strided_slice %convert_element_type3A_116 {offsets = [0, 0], sizes = [2048, 256], strides = [1, 1]} : vector<4096x256xi16> to vector<2048x256xi16>
    %slice3A_118 = vector.extract_strided_slice %convert_element_type3A_116 {offsets = [2048, 0], sizes = [2048, 256], strides = [1, 1]} : vector<4096x256xi16> to vector<2048x256xi16>
    %add3A_119 = arith.addi %slice3A_117, %slice3A_118 : vector<2048x256xi16>
    %slice3A_120 = vector.extract_strided_slice %add3A_119 {offsets = [0, 0], sizes = [1024, 256], strides = [1, 1]} : vector<2048x256xi16> to vector<1024x256xi16>
    %slice3A_121 = vector.extract_strided_slice %add3A_119 {offsets = [1024, 0], sizes = [1024, 256], strides = [1, 1]} : vector<2048x256xi16> to vector<1024x256xi16>
    %add3A_122 = arith.addi %slice3A_120, %slice3A_121 : vector<1024x256xi16>
    %slice3A_123 = vector.extract_strided_slice %add3A_122 {offsets = [0, 0], sizes = [512, 256], strides = [1, 1]} : vector<1024x256xi16> to vector<512x256xi16>
    %slice3A_124 = vector.extract_strided_slice %add3A_122 {offsets = [512, 0], sizes = [512, 256], strides = [1, 1]} : vector<1024x256xi16> to vector<512x256xi16>
    %add3A_125 = arith.addi %slice3A_123, %slice3A_124 : vector<512x256xi16>
    %slice3A_126 = vector.extract_strided_slice %add3A_125 {offsets = [0, 0], sizes = [256, 256], strides = [1, 1]} : vector<512x256xi16> to vector<256x256xi16>
    %slice3A_127 = vector.extract_strided_slice %add3A_125 {offsets = [256, 0], sizes = [256, 256], strides = [1, 1]} : vector<512x256xi16> to vector<256x256xi16>
    %add3A_128 = arith.addi %slice3A_126, %slice3A_127 : vector<256x256xi16>
    %slice3A_129 = vector.extract_strided_slice %add3A_128 {offsets = [0, 0], sizes = [128, 256], strides = [1, 1]} : vector<256x256xi16> to vector<128x256xi16>
    %slice3A_130 = vector.extract_strided_slice %add3A_128 {offsets = [128, 0], sizes = [128, 256], strides = [1, 1]} : vector<256x256xi16> to vector<128x256xi16>
    %add3A_131 = arith.addi %slice3A_129, %slice3A_130 : vector<128x256xi16>
    %slice3A_132 = vector.extract_strided_slice %add3A_131 {offsets = [0, 0], sizes = [64, 256], strides = [1, 1]} : vector<128x256xi16> to vector<64x256xi16>
    %slice3A_133 = vector.extract_strided_slice %add3A_131 {offsets = [64, 0], sizes = [64, 256], strides = [1, 1]} : vector<128x256xi16> to vector<64x256xi16>
    %add3A_134 = arith.addi %slice3A_132, %slice3A_133 : vector<64x256xi16>
    %slice3A_135 = vector.extract_strided_slice %add3A_134 {offsets = [0, 0], sizes = [32, 256], strides = [1, 1]} : vector<64x256xi16> to vector<32x256xi16>
    %slice3A_136 = vector.extract_strided_slice %add3A_134 {offsets = [32, 0], sizes = [32, 256], strides = [1, 1]} : vector<64x256xi16> to vector<32x256xi16>
    %add3A_137 = arith.addi %slice3A_135, %slice3A_136 : vector<32x256xi16>
    %slice3A_138 = vector.extract_strided_slice %add3A_137 {offsets = [0, 0], sizes = [16, 256], strides = [1, 1]} : vector<32x256xi16> to vector<16x256xi16>
    %slice3A_139 = vector.extract_strided_slice %add3A_137 {offsets = [16, 0], sizes = [16, 256], strides = [1, 1]} : vector<32x256xi16> to vector<16x256xi16>
    %add3A_140 = arith.addi %slice3A_138, %slice3A_139 : vector<16x256xi16>
    %convert_element_type3A_141 = arith.extsi %add3A_140 : vector<16x256xi16> to vector<16x256xi32>
    %reduce_sum3A_142 = arith.constant dense<0> : vector<256xi32>
    %reduce_sum3A_143 = vector.multi_reduction <add>, %convert_element_type3A_141, %reduce_sum3A_142 [0] : vector<16x256xi32> to vector<256xi32>
    %broadcast_in_dim3A_144 = vector.shape_cast %reduce_sum3A_143 : vector<256xi32> to vector<1x256xi32>
    %sub3A_145 = arith.subi %sub3A_84, %broadcast_in_dim3A_144 : vector<1x256xi32>
    %iota3A = tpu.iota {dimensions = array<i32: 0>} : vector<4096x256xi32>
    %convert_element_type3A_146 = arith.trunci %iota3A : vector<4096x256xi32> to vector<4096x256xi16>
    %get3A_147 = arith.constant 0 : index
    %get3A_148 = arith.constant 0 : index
    %get3A_149 = vector.load %arg6[%get3A_147, %get3A_148] : memref<4096x256xi16, #tpu.memory_space<vmem>>, vector<4096x256xi16>
    %eq3A_150 = vector.broadcast %convert_element_type3A_110 : vector<1x256xi16> to vector<4096x256xi16>
    %eq3A_151 = arith.cmpi eq, %get3A_149, %eq3A_150 : vector<4096x256xi16>
    %jit3A_152 = arith.constant 32767 : i16
    %broadcast_in_dim3A_153 = vector.broadcast %jit3A_152 : i16 to vector<4096x256xi16>
    %select_n3A_154 = arith.select %eq3A_151, %convert_element_type3A_146, %broadcast_in_dim3A_153 : vector<4096x256xi1>, vector<4096x256xi16>
    %swap3A_155 = arith.constant 0 : index
    %swap3A_156 = arith.constant 0 : index
    %swap3A_157 = vector.load %arg6[%swap3A_155, %swap3A_156] : memref<4096x256xi16, #tpu.memory_space<vmem>>, vector<4096x256xi16>
    tpu.vector_store %arg6[%swap3A_155, %swap3A_156], %select_n3A_154 {strides = array<i32>} : memref<4096x256xi16, #tpu.memory_space<vmem>>, vector<4096x256xi16>,
    %broadcast_in_dim3A_158 = arith.constant 0 : i32
    %broadcast_in_dim3A_159 = vector.broadcast %broadcast_in_dim3A_158 : i32 to vector<1x256xi32>
    %broadcast_in_dim3A_160 = arith.constant 4095 : i32
    %broadcast_in_dim3A_161 = vector.broadcast %broadcast_in_dim3A_160 : i32 to vector<1x256xi32>
    %scan3A_162 = arith.constant 0 : i32
    %scan3A_163 = arith.constant 12 : i32
    %scan3A_164 = arith.addi %scan3A_162, %scan3A_163 : i32
    %scan3A_165 = arith.constant 1 : i32
    %scan3A_166:2 = scf.for %scan3A_234 = %scan3A_162 to %scan3A_164 step %scan3A_165 iter_args(%scan3A_235 = %broadcast_in_dim3A_159, %scan3A_236 = %broadcast_in_dim3A_161) -> (vector<1x256xi32>, vector<1x256xi32>)  : i32 {
      %add3A_237 = arith.addi %scan3A_235, %scan3A_236 : vector<1x256xi32>
      %shift_right_arithmetic3A_238 = arith.constant 1 : i32
      %shift_right_arithmetic3A_239 = vector.broadcast %shift_right_arithmetic3A_238 : i32 to vector<1x256xi32>
      %shift_right_arithmetic3A_240 = arith.shrsi %add3A_237, %shift_right_arithmetic3A_239 : vector<1x256xi32>
      %get3A_241 = arith.constant 0 : index
      %get3A_242 = arith.constant 0 : index
      %get3A_243 = vector.load %arg6[%get3A_241, %get3A_242] : memref<4096x256xi16, #tpu.memory_space<vmem>>, vector<4096x256xi16>
      %convert_element_type3A_244 = arith.trunci %shift_right_arithmetic3A_240 : vector<1x256xi32> to vector<1x256xi16>
      %le3A_245 = vector.broadcast %convert_element_type3A_244 : vector<1x256xi16> to vector<4096x256xi16>
      %le3A_246 = arith.cmpi sle, %get3A_243, %le3A_245 : vector<4096x256xi16>
      %convert_element_type3A_247 = arith.extui %le3A_246 : vector<4096x256xi1> to vector<4096x256xi16>
      %slice3A_248 = vector.extract_strided_slice %convert_element_type3A_247 {offsets = [0, 0], sizes = [2048, 256], strides = [1, 1]} : vector<4096x256xi16> to vector<2048x256xi16>
      %slice3A_249 = vector.extract_strided_slice %convert_element_type3A_247 {offsets = [2048, 0], sizes = [2048, 256], strides = [1, 1]} : vector<4096x256xi16> to vector<2048x256xi16>
      %add3A_250 = arith.addi %slice3A_248, %slice3A_249 : vector<2048x256xi16>
      %slice3A_251 = vector.extract_strided_slice %add3A_250 {offsets = [0, 0], sizes = [1024, 256], strides = [1, 1]} : vector<2048x256xi16> to vector<1024x256xi16>
      %slice3A_252 = vector.extract_strided_slice %add3A_250 {offsets = [1024, 0], sizes = [1024, 256], strides = [1, 1]} : vector<2048x256xi16> to vector<1024x256xi16>
      %add3A_253 = arith.addi %slice3A_251, %slice3A_252 : vector<1024x256xi16>
      %slice3A_254 = vector.extract_strided_slice %add3A_253 {offsets = [0, 0], sizes = [512, 256], strides = [1, 1]} : vector<1024x256xi16> to vector<512x256xi16>
      %slice3A_255 = vector.extract_strided_slice %add3A_253 {offsets = [512, 0], sizes = [512, 256], strides = [1, 1]} : vector<1024x256xi16> to vector<512x256xi16>
      %add3A_256 = arith.addi %slice3A_254, %slice3A_255 : vector<512x256xi16>
      %slice3A_257 = vector.extract_strided_slice %add3A_256 {offsets = [0, 0], sizes = [256, 256], strides = [1, 1]} : vector<512x256xi16> to vector<256x256xi16>
      %slice3A_258 = vector.extract_strided_slice %add3A_256 {offsets = [256, 0], sizes = [256, 256], strides = [1, 1]} : vector<512x256xi16> to vector<256x256xi16>
      %add3A_259 = arith.addi %slice3A_257, %slice3A_258 : vector<256x256xi16>
      %slice3A_260 = vector.extract_strided_slice %add3A_259 {offsets = [0, 0], sizes = [128, 256], strides = [1, 1]} : vector<256x256xi16> to vector<128x256xi16>
      %slice3A_261 = vector.extract_strided_slice %add3A_259 {offsets = [128, 0], sizes = [128, 256], strides = [1, 1]} : vector<256x256xi16> to vector<128x256xi16>
      %add3A_262 = arith.addi %slice3A_260, %slice3A_261 : vector<128x256xi16>
      %slice3A_263 = vector.extract_strided_slice %add3A_262 {offsets = [0, 0], sizes = [64, 256], strides = [1, 1]} : vector<128x256xi16> to vector<64x256xi16>
      %slice3A_264 = vector.extract_strided_slice %add3A_262 {offsets = [64, 0], sizes = [64, 256], strides = [1, 1]} : vector<128x256xi16> to vector<64x256xi16>
      %add3A_265 = arith.addi %slice3A_263, %slice3A_264 : vector<64x256xi16>
      %slice3A_266 = vector.extract_strided_slice %add3A_265 {offsets = [0, 0], sizes = [32, 256], strides = [1, 1]} : vector<64x256xi16> to vector<32x256xi16>
      %slice3A_267 = vector.extract_strided_slice %add3A_265 {offsets = [32, 0], sizes = [32, 256], strides = [1, 1]} : vector<64x256xi16> to vector<32x256xi16>
      %add3A_268 = arith.addi %slice3A_266, %slice3A_267 : vector<32x256xi16>
      %slice3A_269 = vector.extract_strided_slice %add3A_268 {offsets = [0, 0], sizes = [16, 256], strides = [1, 1]} : vector<32x256xi16> to vector<16x256xi16>
      %slice3A_270 = vector.extract_strided_slice %add3A_268 {offsets = [16, 0], sizes = [16, 256], strides = [1, 1]} : vector<32x256xi16> to vector<16x256xi16>
      %add3A_271 = arith.addi %slice3A_269, %slice3A_270 : vector<16x256xi16>
      %convert_element_type3A_272 = arith.extsi %add3A_271 : vector<16x256xi16> to vector<16x256xi32>
      %reduce_sum3A_273 = arith.constant dense<0> : vector<256xi32>
      %reduce_sum3A_274 = vector.multi_reduction <add>, %convert_element_type3A_272, %reduce_sum3A_273 [0] : vector<16x256xi32> to vector<256xi32>
      %broadcast_in_dim3A_275 = vector.shape_cast %reduce_sum3A_274 : vector<256xi32> to vector<1x256xi32>
      %ge3A = arith.cmpi sge, %broadcast_in_dim3A_275, %sub3A_145 : vector<1x256xi32>
      %add3A_276 = arith.constant 1 : i32
      %add3A_277 = vector.broadcast %add3A_276 : i32 to vector<1x256xi32>
      %add3A_278 = arith.addi %shift_right_arithmetic3A_240, %add3A_277 : vector<1x256xi32>
      %select_n3A_279 = arith.select %ge3A, %scan3A_235, %add3A_278 : vector<1x256xi1>, vector<1x256xi32>
      %select_n3A_280 = arith.select %ge3A, %shift_right_arithmetic3A_240, %scan3A_236 : vector<1x256xi1>, vector<1x256xi32>
      scf.yield %select_n3A_279, %select_n3A_280 : vector<1x256xi32>, vector<1x256xi32>
    }
    %min3A = arith.constant 15 : i32
    %min3A_167 = arith.minsi %arg0, %min3A : i32
    %swap3A_168 = arith.index_cast %min3A_167 : i32 to index
    %swap3A_169 = arith.constant 0 : index
    %swap3A_170 = vector.load %arg7[%swap3A_168, %swap3A_169] : memref<16x256xi32, #tpu.memory_space<vmem>>, vector<1x256xi32>
    tpu.vector_store %arg7[%swap3A_168, %swap3A_169], %or3A {strides = array<i32>} : memref<16x256xi32, #tpu.memory_space<vmem>>, vector<1x256xi32>,
    %swap3A_171 = arith.index_cast %min3A_167 : i32 to index
    %swap3A_172 = arith.constant 0 : index
    %swap3A_173 = vector.load %arg8[%swap3A_171, %swap3A_172] : memref<16x256xi32, #tpu.memory_space<vmem>>, vector<1x256xi32>
    tpu.vector_store %arg8[%swap3A_171, %swap3A_172], %scan3A_166#0 {strides = array<i32>} : memref<16x256xi32, #tpu.memory_space<vmem>>, vector<1x256xi32>,
    %sub3A_174 = arith.constant 1 : i32
    %sub3A_175 = arith.subi %arg0, %sub3A_174 : i32
    %max3A_176 = arith.constant 0 : i32
    %max3A_177 = arith.maxsi %sub3A_175, %max3A_176 : i32
    %get3A_178 = arith.index_cast %max3A_177 : i32 to index
    %get3A_179 = arith.constant 0 : index
    %get3A_180 = vector.load %arg7[%get3A_178, %get3A_179] : memref<16x256xi32, #tpu.memory_space<vmem>>, vector<1x256xi32>
    %get3A_181 = arith.index_cast %max3A_177 : i32 to index
    %get3A_182 = arith.constant 0 : index
    %get3A_183 = vector.load %arg8[%get3A_181, %get3A_182] : memref<16x256xi32, #tpu.memory_space<vmem>>, vector<1x256xi32>
    %iota3A_184 = tpu.iota {dimensions = array<i32: 0>} : vector<256x256xi32>
    %iota3A_185 = tpu.iota {dimensions = array<i32: 1>} : vector<256x256xi32>
    %eq3A_186 = arith.cmpi eq, %iota3A_184, %iota3A_185 : vector<256x256xi32>
    %convert_element_type3A_187 = arith.extui %eq3A_186 : vector<256x256xi1> to vector<256x256xi32>
    %convert_element_type3A_188 = arith.sitofp %convert_element_type3A_187 : vector<256x256xi32> to vector<256x256xf32>
    %shift_right_arithmetic3A_189 = arith.constant 16 : i32
    %shift_right_arithmetic3A_190 = vector.broadcast %shift_right_arithmetic3A_189 : i32 to vector<1x256xi32>
    %shift_right_arithmetic3A_191 = arith.shrsi %get3A_180, %shift_right_arithmetic3A_190 : vector<1x256xi32>
    %convert_element_type3A_192 = arith.sitofp %shift_right_arithmetic3A_191 : vector<1x256xi32> to vector<1x256xf32>
    %dot_general3A_193 = arith.constant dense<0.000000e+00> : vector<256x1xf32>
    %dot_general3A_194 = tpu.matmul %convert_element_type3A_188, %convert_element_type3A_192, %dot_general3A_193 {dimension_numbers = #tpu.dot_dimension_numbers<[1], [1], [0], [0], [0, 0, 1, 0], [], []>, transpose_lhs_hint = false} : vector<256x256xf32>, vector<1x256xf32>, vector<256x1xf32> -> vector<256x1xf32>
    %convert_element_type3A_195 = arith.fptosi %dot_general3A_194 : vector<256x1xf32> to vector<256x1xi32>
    %shift_left3A_196 = arith.constant 16 : i32
    %shift_left3A_197 = vector.broadcast %shift_left3A_196 : i32 to vector<256x1xi32>
    %shift_left3A_198 = arith.shli %convert_element_type3A_195, %shift_left3A_197 : vector<256x1xi32>
    %and3A_199 = arith.constant 65535 : i32
    %and3A_200 = vector.broadcast %and3A_199 : i32 to vector<1x256xi32>
    %and3A_201 = arith.andi %get3A_180, %and3A_200 : vector<1x256xi32>
    %convert_element_type3A_202 = arith.sitofp %and3A_201 : vector<1x256xi32> to vector<1x256xf32>
    %dot_general3A_203 = arith.constant dense<0.000000e+00> : vector<256x1xf32>
    %dot_general3A_204 = tpu.matmul %convert_element_type3A_188, %convert_element_type3A_202, %dot_general3A_203 {dimension_numbers = #tpu.dot_dimension_numbers<[1], [1], [0], [0], [0, 0, 1, 0], [], []>, transpose_lhs_hint = false} : vector<256x256xf32>, vector<1x256xf32>, vector<256x1xf32> -> vector<256x1xf32>
    %convert_element_type3A_205 = arith.fptosi %dot_general3A_204 : vector<256x1xf32> to vector<256x1xi32>
    %or3A_206 = arith.ori %shift_left3A_198, %convert_element_type3A_205 : vector<256x1xi32>
    %convert_element_type3A_207 = arith.sitofp %get3A_183 : vector<1x256xi32> to vector<1x256xf32>
    %dot_general3A_208 = arith.constant dense<0.000000e+00> : vector<256x1xf32>
    %dot_general3A_209 = tpu.matmul %convert_element_type3A_188, %convert_element_type3A_207, %dot_general3A_208 {dimension_numbers = #tpu.dot_dimension_numbers<[1], [1], [0], [0], [0, 0, 1, 0], [], []>, transpose_lhs_hint = false} : vector<256x256xf32>, vector<1x256xf32>, vector<256x1xf32> -> vector<256x1xf32>
    %convert_element_type3A_210 = arith.fptosi %dot_general3A_209 : vector<256x1xf32> to vector<256x1xi32>
    %get3A_211 = arith.constant 0 : index
    %get3A_212 = arith.constant 0 : index
    %get3A_213 = vector.load %arg2[%get3A_211, %get3A_212] : memref<256x256xf32, #tpu.memory_space<vmem>>, vector<256x256xf32>
    %get3A_214 = arith.constant 0 : index
    %get3A_215 = arith.constant 0 : index
    %get3A_216 = vector.load %arg3[%get3A_214, %get3A_215] : memref<4096x256xf32, #tpu.memory_space<vmem>>, vector<4096x256xf32>
    %dot_general3A_217 = arith.constant dense<0.000000e+00> : vector<256x4096xf32>
    %dot_general3A_218 = tpu.matmul %get3A_213, %get3A_216, %dot_general3A_217 {dimension_numbers = #tpu.dot_dimension_numbers<[1], [1], [0], [0], [0, 0, 1, 0], [], []>, transpose_lhs_hint = false} : vector<256x256xf32>, vector<4096x256xf32>, vector<256x4096xf32> -> vector<256x4096xf32>
    %bitcast_convert_type3A_219 = tpu.bitcast %dot_general3A_218 : vector<256x4096xf32> -> vector<256x4096xi32>
    %iota3A_220 = tpu.iota {dimensions = array<i32: 1>} : vector<256x4096xi32>
    %gt3A_221 = vector.broadcast %or3A_206 : vector<256x1xi32> to vector<256x4096xi32>
    %gt3A_222 = arith.cmpi sgt, %bitcast_convert_type3A_219, %gt3A_221 : vector<256x4096xi32>
    %eq3A_223 = vector.broadcast %or3A_206 : vector<256x1xi32> to vector<256x4096xi32>
    %eq3A_224 = arith.cmpi eq, %bitcast_convert_type3A_219, %eq3A_223 : vector<256x4096xi32>
    %le3A = vector.broadcast %convert_element_type3A_210 : vector<256x1xi32> to vector<256x4096xi32>
    %le3A_225 = arith.cmpi sle, %iota3A_220, %le3A : vector<256x4096xi32>
    %and3A_226 = arith.andi %eq3A_224, %le3A_225 : vector<256x4096xi1>
    %or3A_227 = arith.ori %gt3A_222, %and3A_226 : vector<256x4096xi1>
    %jit3A_228 = arith.constant 0.000000e+00 : f32
    %broadcast_in_dim3A_229 = vector.broadcast %jit3A_228 : f32 to vector<256x4096xf32>
    %select_n3A_230 = arith.select %or3A_227, %dot_general3A_218, %broadcast_in_dim3A_229 : vector<256x4096xi1>, vector<256x4096xf32>
    %swap3A_231 = arith.constant 0 : index
    %swap3A_232 = arith.constant 0 : index
    %swap3A_233 = vector.load %arg4[%swap3A_231, %swap3A_232] : memref<256x4096xf32, #tpu.memory_space<vmem>>, vector<256x4096xf32>
    tpu.vector_store %arg4[%swap3A_231, %swap3A_232], %select_n3A_230 {strides = array<i32>} : memref<256x4096xf32, #tpu.memory_space<vmem>>, vector<256x4096xf32>,
    return
  }
  func.func @transform_0(%arg0: i32) -> (i32, i32) {
    %min3A = arith.constant 15 : i32
    %min3A_0 = arith.minsi %arg0, %min3A : i32
    %c0_i32 = arith.constant 0 : i32
    %c0_i32_1 = arith.constant 0 : i32
    return %min3A_0, %c0_i32 : i32, i32
  }
  func.func @transform_1(%arg0: i32) -> (i32, i32) {
    %sub3A = arith.constant 1 : i32
    %sub3A_0 = arith.subi %arg0, %sub3A : i32
    %max3A = arith.constant 0 : i32
    %max3A_1 = arith.maxsi %sub3A_0, %max3A : i32
    %c0_i32 = arith.constant 0 : i32
    %c0_i32_2 = arith.constant 0 : i32
    return %max3A_1, %c0_i32 : i32, i32
  }
  func.func @transform_2(%arg0: i32) -> (i32, i32) {
    %c0_i32 = arith.constant 0 : i32
    %c0_i32_0 = arith.constant 0 : i32
    %c0_i32_1 = arith.constant 0 : i32
    return %c0_i32, %c0_i32_0 : i32, i32
  }
  func.func @transform_3(%arg0: i32) -> (i32, i32) {
    %sub3A = arith.constant 1 : i32
    %sub3A_0 = arith.subi %arg0, %sub3A : i32
    %max3A = arith.constant 0 : i32
    %max3A_1 = arith.maxsi %sub3A_0, %max3A : i32
    %c0_i32 = arith.constant 0 : i32
    %c0_i32_2 = arith.constant 0 : i32
    return %max3A_1, %c0_i32 : i32, i32
  }
}

</mosaic_0001>

<sc_bundles>
// kernel: kernel.5.cloned.1.call-start
scs
__scs_entry_jumppad:
0x0: {  	(pc) =	sbr.rel $0x88, $3  }
0x1: {  	(tag) =	ssettag $0x0;
	lr =	simm.s32 $0x1  }
0x2: {  	[smem:$0x3F9A] =	sst lr;
	_ =	strace $0xD0000000  }
0x3: {  	_ = 	snop  }
0x4: {  	_ = 	snop  }
0x5: {  	_ = 	snop  }
0x6: {  	_ = 	snop  }
0x7: {  	_ = 	snop  }
__scs_overlays_trampoline_lowered:
0x8: {  	[smem:$0x3FA9] =	sst s0  }
0x9: {  	[smem:$0x3FAA] =	sst s1  }
0xa: {  	[smem:$0x3FAB] =	sst s2  }
0xb: {  	[smem:$0x3FAC] =	sst s3  }
0xc: {  	[smem:$0x3FAD] =	sst s4  }
0xd: {  	[smem:$0x3FAE] =	sst s5  }
0xe: {  	[smem:$0x3FAF] =	sst s6  }
0xf: {  	[smem:$0x3FB0] =	sst s7  }
0x10: {  	[smem:$0x3FB1] =	sst s8  }
0x11: {  	[smem:$0x3FB2] =	sst s9;
	s0 =	simm.s32 @!p0 $0x0  }
0x12: {  	s1 =	sld [smem:$0x3F98];
	s0 =	simm.s32 @p0 $0x1  }
0x13: {  	[smem:$0x3FB3] =	sst s0;
	s0 =	simm.s32 @!p1 $0x0  }
0x14: {  	s2 =	sld [smem:$0x3F97];
	s0 =	simm.s32 @p1 $0x1  }
0x15: {  	[smem:$0x3FB4] =	sst s0;
	s0 =	simm.s32 @!p2 $0x0  }
0x16: {  	s3 =	sld [smem:$0x3FDB];
	s0 =	simm.s32 @p2 $0x1  }
0x17: {  	s4 =	simm.s32 $0x1BF5;
	[smem:$0x3FB6] =	sst s0  }
0x18: {  	s0 =	sld [smem:$0x3F99];
	_ =	swait.ge [sflag:s4], $0x0  }
0x19: {  	s7 =	sld [smem:$0x3F9A]  }
0x1a: {  	s8 =	sadd.s32 $0xFFFFE003, lr  }
0x1b: {  	s9 =	sadd.s32 $0xFFFFFEF7, lr;
	s5 =	simm.s32 $0xFFFFFFFF;
	p2 =	slt.u32 s8, $0xFFFFF086  }
0x1c: {  	p1 =	slt.u32 s9, $0xF7A;
	s5 =	simm.s32 @!p2 $0x0  }
0x1d: {  	s5 =	simm.s32 @p1 $0x1;
	p0 =	seq.s32 s7, s2  }
0x1e: {  	s7 =	smul.u32 @!p0 $0xF7A, s2;
	p2 =	seq.s32 @!p0 s5, $0x0  }
0x1f: {  	s9 =	smul.u32 $0xF7A, s1;
	s8 =	simm.s32 @!p0 $0x1BF5;
	p2 =	por !p2, p0  }
0x20: {  	[sflag:s8] =	ssyncset.s32 @!p0 $0xFFFFF086;
	s6 =	sadd.s32 @!p0 s3, s7;
	s7 =	simm.s32 @!p0 $0x108  }
0x21: {  	s3 =	sadd.s32 s3, s9;
	s6 =	sadd.s32 @!p0 $0x88, s6;
	s7 =	simm.s32 @p2 $0x1082  }
0x22: {  	[simem:s7], [sflag:s8] =	dma.local @!p0 [hbm:s6], $0xF7A  }
0x23: {  	s9 =	sor.u32 $0xD0000000, s2;
	s6 =	simm.s32 $0x108;
	_ =	swait.ge @!p0 [sflag:s8], $0x0  }
0x24: {  	s3 =	sadd.s32 $0x88, s3;
	s6 =	simm.s32 @!p1 $0x1082;
	[sflag:s4] =	ssyncset.s32 $0xFFFFF086  }
0x25: {  	[simem:s6], [sflag:s4] =	dma.local [hbm:s3], $0xF7A  }
0x26: {  	[smem:$0x3F9A] =	sst s1;
	(tag) =	ssettag s2;
	_ =	strace s9  }
0x27: {  	s1 =	sld [smem:$0x3FAA]  }
0x28: {  	s2 =	sld [smem:$0x3FAB]  }
0x29: {  	s4 =	sld [smem:$0x3FAD]  }
0x2a: {  	p0 =	seq.s32 s5, $0x0;
	s5 =	sld [smem:$0x3FAE]  }
0x2b: {  	s6 =	sld [smem:$0x3FAF]  }
0x2c: {  	s7 =	sld [smem:$0x3FB0]  }
0x2d: {  	s3 =	simm.s32 $0x108;
	s8 =	sld [smem:$0x3FB1]  }
0x2e: {  	s3 =	simm.s32 @!p0 $0x1082;
	s9 =	sld [smem:$0x3FB2]  }
0x2f: {  	lr =	sadd.s32 s0, s3;
	s0 =	sld [smem:$0x3FA9]  }
0x30: {  	s3 =	sld [smem:$0x3FAC]  }
0x31: {  	[smem:$0x3FB5] =	sst s10  }
0x32: {  	s10 =	sld [smem:$0x3FB3];
	_ =	sdelay $0x3  }
0x33: {  	p0 =	seq.s32 s10, $0x1;
	s10 =	sld [smem:$0x3FB5];
	_ =	sdelay $0x3  }
0x34: {  	[smem:$0x3FB5] =	sst s10  }
0x35: {  	s10 =	sld [smem:$0x3FB4];
	_ =	sdelay $0x3  }
0x36: {  	p1 =	seq.s32 s10, $0x1;
	s10 =	sld [smem:$0x3FB5];
	_ =	sdelay $0x3  }
0x37: {  	[smem:$0x3FB5] =	sst s10  }
0x38: {  	s10 =	sld [smem:$0x3FB6]  }
0x39: {  	_ = 	snop;
	(pc) =	sbr.ind lr, $3  }
0x3a: {  	_ = 	snop  }
0x3b: {  	_ = 	snop  }
0x3c: {  	p2 =	seq.s32 s10, $0x1;
	s10 =	sld [smem:$0x3FB5]  }
0x3d: {  	_ =	shalt  }
0x3e: {  	_ =	shalt  }
0x3f: {  	_ =	shalt  }
0x40: {  	_ =	shalt  }
0x41: {  	_ =	shalt  }
0x42: {  	_ =	shalt  }
0x43: {  	_ =	shalt  }
0x44: {  	_ =	shalt  }
0x45: {  	_ =	shalt  }
0x46: {  	_ =	shalt  }
0x47: {  	_ =	shalt  }
0x48: {  	_ =	shalt  }
0x49: {  	_ =	shalt  }
0x4a: {  	_ =	shalt  }
0x4b: {  	_ =	shalt  }
0x4c: {  	_ =	shalt  }
0x4d: {  	_ =	shalt  }
0x4e: {  	_ =	shalt  }
0x4f: {  	_ =	shalt  }
0x50: {  	_ =	shalt  }
0x51: {  	_ =	shalt  }
0x52: {  	_ =	shalt  }
0x53: {  	_ =	shalt  }
0x54: {  	_ =	shalt  }
0x55: {  	_ =	shalt  }
0x56: {  	_ =	shalt  }
0x57: {  	_ =	shalt  }
0x58: {  	_ =	shalt  }
0x59: {  	_ =	shalt  }
0x5a: {  	_ =	shalt  }
0x5b: {  	_ =	shalt  }
0x5c: {  	_ =	shalt  }
0x5d: {  	_ =	shalt  }
0x5e: {  	_ =	shalt  }
0x5f: {  	_ =	shalt  }
0x60: {  	_ =	shalt  }
0x61: {  	_ =	shalt  }
0x62: {  	_ =	shalt  }
0x63: {  	_ =	shalt  }
0x64: {  	_ =	shalt  }
0x65: {  	_ =	shalt  }
0x66: {  	_ =	shalt  }
0x67: {  	_ =	shalt  }
0x68: {  	_ =	shalt  }
0x69: {  	_ =	shalt  }
0x6a: {  	_ =	shalt  }
0x6b: {  	_ =	shalt  }
0x6c: {  	_ =	shalt  }
0x6d: {  	_ =	shalt  }
0x6e: {  	_ =	shalt  }
0x6f: {  	_ =	shalt  }
0x70: {  	_ =	shalt  }
0x71: {  	_ =	shalt  }
0x72: {  	_ =	shalt  }
0x73: {  	_ =	shalt  }
0x74: {  	_ =	shalt  }
0x75: {  	_ =	shalt  }
0x76: {  	_ =	shalt  }
0x77: {  	_ =	shalt  }
0x78: {  	_ =	shalt  }
0x79: {  	_ =	shalt  }
0x7a: {  	_ =	shalt  }
0x7b: {  	_ =	shalt  }
0x7c: {  	_ =	shalt  }
0x7d: {  	_ =	shalt  }
0x7e: {  	_ =	shalt  }
0x7f: {  	_ =	shalt  }
0x80: {  	_ =	shalt  }
0x81: {  	_ =	shalt  }
0x82: {  	_ =	shalt  }
0x83: {  	_ =	shalt  }
0x84: {  	_ =	shalt  }
0x85: {  	_ =	shalt  }
0x86: {  	_ =	shalt  }
0x87: {  	_ =	shalt  }
.Lfunc_end0:
.L_simem_size_0:
called_computation_lowered:
.L_overlay_start_0:
0x88: {  	s2 =	sld [smem:$0x3FD9]  }
0x89: {  	s3 =	sld [smem:$0x3FFE];
	_ =	sdelay $0x1  }
0x8a: {  	s1 =	srdreg.scid  }
0x8b: {  	s0 =	sand.u32 $0x1, s1  }
0x8c: {  	s17 =	sshll.u32 s0, $0xA;
	s2 =	sadd.s32 s3, s2  }
0x8d: {  	s2 =	sadd.s32 s2, s17  }
0x8e: {  	[smem:$0x3FC1] =	sst s2  }
0x8f: {  	_ = 	snop  }
0x90: {  	s2 =	sld [smem:$0x3FC9]  }
0x91: {  	s18 =	sld [smem:$0x3FD0];
	(tm) =	ssettm $0x1  }
0x92: {  	s4 =	sld [smem:$0x3FFB];
	_ =	sdelay $0x3  }
0x93: {  	_ =	strace s4  }
0x94: {  	s4 =	sld [smem:$0x3FFC];
	_ =	sdelay $0x3  }
0x95: {  	_ =	strace s4  }
0x96: {  	s4 =	sld [smem:$0x3FFD];
	_ =	sdelay $0x3  }
0x97: {  	_ =	strace s4  }
0x98: {  	_ =	strace $0x8FFFFFFF  }
0x99: {  	s19 =	sld [smem:$0x3FDB];
	_ =	sdelay $0x1  }
0x9a: {  	s5 =	simm.s32 $_scs_section_size  }
0x9b: {  	s6 =	simm.s32 $_size__tile_overlayer_lowered;
	s7 =	simm.s32 $_tile_overlayer_lowered  }
0x9c: {  	s22 =	simm.s32 $0x1BFF;
	s21 =	sshll.u32 s7, $0x1;
	s4 =	sadd.s32 s5, s19  }
0x9d: {  	s8 =	simm.s32 $0x0;
	s20 =	sshll.u32 s6, $0x1;
	s6 =	sadd.s32 s21, s4  }
0x9e: {  	[timem:s8], [sflag:s22] =	dma.local [hbm:s6], s20  }
0x9f: {  	_ =	swait.ge [sflag:s22], s20  }
0xa0: {  	s5 =	ssub.s32 $0x0, s20;
	[sflag:s22] =	ssyncset.done $0x0  }
0xa1: {  	[sflag:s22] =	ssyncadd.s32 s5;
	_ =	sdelay $0x1  }
0xa2: {  	s23 =	simm.s32 $0x1B8B  }
0xa3: {  	_ =	swait.ge [sflag:s23], $0x1  }
0xa4: {  	[sflag:s23] =	ssyncset.done $0x0  }
0xa5: {  	s25 =	simm.s32 $0x1B8E;
	s24 =	sld [smem:$0x3FFE];
	[sflag:s23] =	ssyncadd.s32 $0xFFFFFFFF  }
0xa6: {  	s26 =	simm.s32 $execute0_lowered;
	[smem:$0x3FD2] =	sst s25  }
0xa7: {  	s6 =	sshll.u32 s26, $0x1;
	_ =	strace $0x80000046;
	[dreg:$0x1] =	wrdreg $0xFFFFFFFF  }
0xa8: {  	s28 =	simm.s32 $_size_execute0_lowered;
	s4 =	sadd.s32 s4, s6;
	[dreg:$0x0] =	wrdreg $0x0  }
0xa9: {  	s6 =	sshll.u32 s28, $0x1;
	[dreg:$0x2] =	wrdreg s4  }
0xaa: {  	[dreg:$0x3] =	wrdreg s6  }
0xab: {  	[dreg:$0x4] =	wrdreg $0xC0  }
0xac: {  	_ =	task [dreg:s8], $0x5FFFF  }
0xad: {  	[dreg:$0x1] =	wrdreg $0xFFFFFFFF  }
0xae: {  	[dreg:$0x0] =	wrdreg $0x60  }
0xaf: {  	[dreg:$0x2] =	wrdreg s18  }
0xb0: {  	[dreg:$0x3] =	wrdreg s2  }
0xb1: {  	[dreg:$0x4] =	wrdreg s24  }
0xb2: {  	[dreg:$0x5] =	wrdreg $0x9  }
0xb3: {  	_ =	task.clear_ibuf [dreg:s8], $0x6FFFF;
	_ =	strace $0x90000046  }
0xb4: {  	s29 =	simm.s32 $0x9;
	_ =	strace $0x80000048  }
0xb5: {  	_ =	swait.ge [sflag:s29], $0x1  }
0xb6: {  	[sflag:s29] =	ssyncadd.s32 $0xFFFFFFFF  }
0xb7: {  	_ =	strace $0x90000048  }
0xb8: {  	_ =	sfence  }
0xb9: {  	s30 =	sld [smem:$0x0];
	_ =	sdelay $0x2  }
0xba: {  	s31 =	sshll.u32 s1, $0xD;
	s1 =	sshrl.u32 s1, $0x2  }
0xbb: {  	s3 =	sand.u32 $0x4000, s31;
	s1 =	sadd.s32 s1, s30  }
0xbc: {  	s0 =	sor.u32 s3, s0;
	s1 =	sshll.u32 s1, $0x11  }
0xbd: {  	s0 =	sor.u32 s1, s0  }
0xbe: {  	s0 =	sadd.s32 $0x8F2B, s0  }
0xbf: {  	[sflag:s0] =	ssyncadd.remote.s32 $0x1  }
0xc0: {  	_ =	sfence.sel $0xFFFF  }
0xc1: {  	[dreg:$0x0] =	wrdreg $0xFFFFFFFF;
	(pc) =	sbr.abs _section_cstart, $3  }
0xc2: {  	[dreg:$0x1] =	wrdreg $0xFFFFFFFF  }
0xc3: {  	_ =	task.clear_ibuf [dreg:s8], $0x2FFFF;
	_ =	strace $0x9FFFFFFF  }
0xc4: {  	(tm) =	ssettm $0x7FFFFFFF  }
0xc5: {  	_ =	shalt  }
tec
execute0_lowered:
.L_overlay_start_1:
0x0: {  	(tag) =	ssettag $0x1  }
0x1: {  	s1 =	rddreg [dreg:$0x0];
	s2 =	srdreg.scid  }
0x2: {  	s4 =	rddreg [dreg:$0x1];
	s0 =	stileid.u32  }
0x3: {  	s8 =	rddreg [dreg:$0x2];
	s3 =	simm.s32 $0x0;
	s6 =	sand.u32 $0x1, s2  }
0x4: {  	s5 =	sshll.u32 s0, $0x8;
	s2 =	rddreg [dreg:$0x3];
	s7 =	sshll.u32 s6, $0x7  }
0x5: {  	[smem:$0x7FF] =	sst s3;
	s9 =	sor.u32 s7, s5  }
0x6: {  	_ =	strace $0x80000047;
	s10 =	ssub.s32 $0x2, s6;
	s5 =	sshrl.u32 s9, $0x3  }
0x7: {  	s6 =	simm.s32 $0x80;
	s5 =	sadd.s32 s4, s5;
	s4 =	simm.s32 $0x2  }
0x8: {  	[tilespmem:s3], [sflag:$0x2] =	stream.linear.gather [hbm4b:s5+s3], $0x80, $0x38;
	[tilespmem:$0x2080] =	vst v63  }
0x9: {  	s7 =	simm.s32 $0x1;
	s11 =	sshrl.u32 s10, $0x1;
	_ =	swait.ge [sflag:s4], $0x80  }
0xa: {  	s9 =	sshll.u32 s9, $0x3;
	s31 =	ssub.s32 s10, s11;
	[sflag:s4] =	ssyncset.done $0x0  }
0xb: {  	s8 =	sadd.s32 s9, s8;
	s9 =	smax.u32 s31, $0x1;
	[sflag:s4] =	ssyncadd.s32 $0xFFFFFF80  }
0xc: {  	[tilespmem:s6], [sflag:$0x1] =	stream.indirect.gather [hbm4b:s1+s6], $0x40, s3, s6, $0xb8;
	[tilespmem:$0x2080] =	vst v63  }
0xd: {  	p0 =	sne.s32 s9, $0x1;
	_ =	swait.ge [sflag:s7], $0x2000  }
.Ltmp0:
0xe: {  	[sflag:s7] =	ssyncset.done $0x0;
	(pc) =	sbr.rel @!p0 .LBB2_2-.Ltmp0, $4  }
0xf: {  	s8 =	sadd.s32 $0xE00, s8;
	[sflag:s7] =	ssyncadd.s32 $0xFFFFE000  }
0x10: {  	[hbm4b:s8+s3] =	stream.linear.scatter [tilespmem:s6], [sflag:$0x2], $0x2000, $0x38;
	[tilespmem:$0x2080] =	vst v63  }
0x11: {  	_ =	swait.ge [sflag:s4], $0x2000  }
0x12: {  	s9 =	sadd.s32 $0xFFFFFFFF, s9;
	[sflag:s4] =	ssyncset.done $0x0  }
.LBB2_1:
0x13: {  	p0 =	sne.s32 s9, $0x1;
	s9 =	sadd.s32 $0xFFFFFFFF, s9;
	[sflag:s4] =	ssyncadd.s32 $0xFFFFE000  }
0x14: {  	[tilespmem:s3], [sflag:$0x2] =	stream.linear.gather [hbm4b:s5+s3], $0x80, $0x38;
	[tilespmem:$0x2080] =	vst v63  }
0x15: {  	_ =	swait.ge [sflag:s4], $0x80  }
0x16: {  	[sflag:s4] =	ssyncset.done $0x0  }
0x17: {  	[sflag:s4] =	ssyncadd.s32 $0xFFFFFF80  }
0x18: {  	[tilespmem:s6], [sflag:$0x1] =	stream.indirect.gather [hbm4b:s1+s6], $0x40, s3, s6, $0xb8;
	[tilespmem:$0x2080] =	vst v63  }
0x19: {  	_ =	swait.ge [sflag:s7], $0x2000  }
.Ltmp1:
0x1a: {  	[sflag:s7] =	ssyncset.done $0x0;
	(pc) =	sbr.rel @p0 .LBB2_1-.Ltmp1, $4  }
0x1b: {  	[sflag:s7] =	ssyncadd.s32 $0xFFFFE000  }
0x1c: {  	[hbm4b:s8+s3] =	stream.linear.scatter [tilespmem:s6], [sflag:$0x2], $0x2000, $0x38;
	[tilespmem:$0x2080] =	vst v63  }
0x1d: {  	_ =	swait.ge [sflag:s4], $0x2000  }
0x1e: {  	[sflag:s4] =	ssyncset.done $0x0  }
.LBB2_2:
0x1f: {  	[sflag:s4] =	ssyncadd.s32 $0xFFFFE000  }
0x20: {  	_ =	sfence.sel $0x180000  }
0x21: {  	[bflag:$0x0] =	sbarrier.arrive $0xFFFF  }
0x22: {  	p0 =	sne.s32 s0, $0x0;
	_ =	strace $0x90000047  }
0x23: {  	s0 =	sadd.s32 @!p0 $0x100000, s2;
	[bflag:$0x2] =	sbarrier.arrive $0xFFFF  }
0x24: {  	[sflag:s0] =	ssyncadd.tile.s32 @!p0 $0x1;
	_ =	shalt  }
.Lfunc_end2:
_tile_overlayer_lowered:
.L_overlay_start_2:
0x25: {  	(tag) =	ssettag $0x2  }
0x26: {  	s0 =	rddreg [dreg:$0x0];
	s2 =	stileid.u32  }
0x27: {  	s1 =	rddreg [dreg:$0x1];
	p0 =	sne.s32 s2, $0x0  }
0x28: {  	s3 =	rddreg [dreg:$0x2];
	[bflag:$0x3] =	sbarrier.arrive $0xFFFF;
	s2 =	simm.s32 @!p0 $0x1C02  }
0x29: {  	[timem:s3], [sflag:s2] =	dma.local @!p0 [hbm:s0], s1  }
0x2a: {  	s0 =	simm.s32 @!p0 $0x2  }
0x2b: {  	_ =	swait.ge @!p0 [sflag:s0], s1  }
0x2c: {  	s1 =	ssub.s32 @!p0 $0x0, s1;
	[sflag:s0] =	ssyncset.done @!p0 $0x0  }
0x2d: {  	[sflag:s0] =	ssyncadd.s32 @!p0 s1  }
0x2e: {  	[bflag:$0x3] =	sbarrier.arrive $0xFFFF  }
0x2f: {  	_ =	shalt  }

</sc_bundles>
